<compile_context>
chip_gen: v7x
topology: tpu7x:2x2x1
jax: 0.10.2.dev20260603
libtpu: 0.0.44.dev20260713+nightly
codegen_flags: <defaults>
</compile_context>

<pallas_src>
import functools

import jax
import jax.numpy as jnp
from jax import lax
from jax.experimental import pallas as pl
from jax.experimental.pallas import tpu as pltpu
from jax.experimental.pallas import tpu_sc as plsc

VOCAB = 1000
D_MODEL = 32
BATCH = 1024
SEQ = 50
SEQ_A = 32
SEQ_B = SEQ - SEQ_A
LANES = 16
N_VEC = BATCH // LANES

NC, NS = 2, 16
NW = NC * NS


@functools.cache
def _make_lookup_kernel(l0, n_l, split):
    mesh = plsc.VectorSubcoreMesh(core_axis_name="c", subcore_axis_name="s",
                                  num_cores=NC, num_subcores=NS)
    ncol = BATCH // split
    n_job = n_l * split

    @functools.partial(
        pl.kernel,
        out_type=jax.ShapeDtypeStruct((n_l, D_MODEL, BATCH), jnp.float32),
        mesh=mesh,
        compiler_params=pltpu.CompilerParams(needs_layout_passes=False),
        scratch_types=[
            pltpu.VMEM((D_MODEL, BATCH), jnp.float32),
            pltpu.VMEM((ncol,), jnp.int32),
            pltpu.VMEM((D_MODEL, ncol), jnp.float32),
        ],
    )
    def lookup_kernel(embt_hbm, xt_hbm, ht_hbm, tab_v, idx_v, h_v):
        wid = lax.axis_index("s") * NC + lax.axis_index("c")
        pltpu.sync_copy(embt_hbm, tab_v)

        def _one_job(job):
            l = job // split
            c0 = (job % split) * ncol
            pltpu.sync_copy(xt_hbm.at[l0 + l, pl.ds(c0, ncol)], idx_v)

            def _col_group(g, carry):
                cols = idx_v[pl.ds(g * LANES, LANES)]
                for d in range(D_MODEL):
                    rows = jnp.full((LANES,), d, dtype=jnp.int32)
                    h_v[d, pl.ds(g * LANES, LANES)] = plsc.load_gather(
                        tab_v, [rows, cols])
                return carry

            lax.fori_loop(0, ncol // LANES, _col_group, 0)
            pltpu.sync_copy(h_v, ht_hbm.at[l].at[:, pl.ds(c0, ncol)])

        for j0 in range(0, n_job, NW):
            if n_job - j0 >= NW:
                _one_job(j0 + wid)
            else:
                @pl.when(wid < n_job - j0)
                def _():
                    _one_job(j0 + wid)

    return lookup_kernel


def _proj_init_body(w_ref, b_ref, h_ref, o_ref):
    o_ref[0] = lax.dot_general(
        w_ref[...], h_ref[0], (((1,), (0,)), ((), ())),
        preferred_element_type=jnp.float32) + b_ref[...]


def _proj_update_body(w_ref, b_ref, h_ref, _, o_ref):
    o_ref[0] = lax.dot_general(
        w_ref[...], h_ref[0], (((1,), (0,)), ((), ())),
        preferred_element_type=jnp.float32) + b_ref[...]


def _project(W, b2, h_piece, l0, n_l, out_in=None):
    if out_in is None:
        return pl.pallas_call(
            _proj_init_body,
            grid=(n_l,),
            in_specs=[
                pl.BlockSpec((VOCAB, D_MODEL), lambda l: (0, 0)),
                pl.BlockSpec((VOCAB, 1), lambda l: (0, 0)),
                pl.BlockSpec((1, D_MODEL, BATCH), lambda l: (l, 0, 0)),
            ],
            out_specs=pl.BlockSpec((1, VOCAB, BATCH),
                                   lambda l: (l0 + l, 0, 0)),
            out_shape=jax.ShapeDtypeStruct((SEQ, VOCAB, BATCH), jnp.float32),
        )(W, b2, h_piece)
    return pl.pallas_call(
        _proj_update_body,
        grid=(n_l,),
        in_specs=[
            pl.BlockSpec((VOCAB, D_MODEL), lambda l: (0, 0)),
            pl.BlockSpec((VOCAB, 1), lambda l: (0, 0)),
            pl.BlockSpec((1, D_MODEL, BATCH), lambda l: (l, 0, 0)),
            pl.BlockSpec(memory_space=pl.ANY),
        ],
        out_specs=pl.BlockSpec((1, VOCAB, BATCH), lambda l: (l0 + l, 0, 0)),
        out_shape=jax.ShapeDtypeStruct((SEQ, VOCAB, BATCH), jnp.float32),
        input_output_aliases={3: 0},
    )(W, b2, h_piece, out_in)


def kernel(x, emb, W, b):
    x_t = x.T
    emb_t = jnp.pad(emb.T, ((0, 0), (0, BATCH - VOCAB)))
    h_a = _make_lookup_kernel(0, SEQ_A, 1)(emb_t, x_t)
    h_b = _make_lookup_kernel(SEQ_A, SEQ_B, 1)(emb_t, x_t)
    b2 = b.reshape(VOCAB, 1)
    out_t = _project(W, b2, h_a, 0, SEQ_A)
    out_t = _project(W, b2, h_b, SEQ_A, SEQ_B, out_t)
    return jnp.transpose(out_t, (2, 0, 1))

# --- scband reference (transcript-rebuilt; emitter-appended) ---
"""Pipeline reference for scband-tiny-model-12652973654384 (READ-ONLY COPY).

The authoritative reference and input builder live on the scoring server;
editing this copy changes nothing except your own understanding.
"""

import jax, jax.numpy as jnp
import numpy as np

VOCAB = 1000
D_MODEL = 32
B = 1024
L = 50


def setup_inputs(seed: int = 0) -> dict:
    key = jax.random.key(seed)
    k1, k2, k3, k4 = jax.random.split(key, 4)
    x = jax.random.randint(k1, (B, L), 0, VOCAB, dtype=jnp.int64 if jax.config.jax_enable_x64 else jnp.int32).astype(jnp.int32)
    emb = jax.random.normal(k2, (VOCAB, D_MODEL), dtype=jnp.float32)
    # torch nn.Linear(d_model, vocab): weight shape [vocab, d_model], bias [vocab]
    W = jax.random.normal(k3, (VOCAB, D_MODEL), dtype=jnp.float32) * (1.0 / np.sqrt(D_MODEL))
    b = jax.random.normal(k4, (VOCAB,), dtype=jnp.float32) * 0.01
    return {"x": x, "emb": emb, "W": W, "b": b}


def reference(x, emb, W, b):
    # h = embedding(x): gather rows of the table
    h = jnp.take(emb, x, axis=0)          # [B, L, d_model]
    # logits = linear(h) = h @ W^T + b
    logits = jnp.einsum('bld,vd->blv', h, W) + b  # [B, L, vocab]
    return logits

if __name__ == "__main__":
    import jax
    _d = setup_inputs()
    print(jax.jit(kernel)(*tuple(_d.values())))

</pallas_src>

<mosaic_0001>
#map = affine_map<(d0, d1) -> (0, 0)>
#map1 = affine_map<(d0, d1) -> (0, 0, 0)>
module attributes {stable_mosaic.version = 14 : i64} {
  func.func @lookup_kernel(%arg0: i32, %arg1: i32, %arg2: memref<32x1024xf32, #tpu.memory_space<hbm>>, %arg3: memref<50x1024xi32, #tpu.memory_space<hbm>>, %arg4: memref<32x32x1024xf32, #tpu.memory_space<hbm>>, %arg5: memref<32x1024xf32, #tpu.memory_space<vmem>>, %arg6: memref<1024xi32, #tpu.memory_space<vmem>>, %arg7: memref<32x1024xf32, #tpu.memory_space<vmem>>) attributes {dimension_semantics = [#tpu.dimension_semantics<core_parallel>, #tpu.dimension_semantics<subcore_parallel>], iteration_bounds = array<i64: 2, 16>, scalar_prefetch = 0 : i64, scratch_operands = 3 : i64, tpu.core_type = #tpu.core_type<sc_vector_subcore>, window_params = [{transform_indices = #map}, {transform_indices = #map}, {transform_indices = #map1}]} {
    %mul3A = arith.constant 2 : i32
    %mul3A_0 = arith.muli %arg1, %mul3A : i32
    %add3A = arith.addi %mul3A_0, %arg0 : i32
    "tpu.region"() ({
      %run_scoped3A = tpu.sem_alloc : memref<!tpu.dma_semaphore, #tpu.memory_space<semaphore_mem>>
      tpu.enqueue_dma source(%arg2 : memref<32x1024xf32, #tpu.memory_space<hbm>>) target(%arg5 : memref<32x1024xf32, #tpu.memory_space<vmem>>) target_semaphore(%run_scoped3A : memref<!tpu.dma_semaphore, #tpu.memory_space<semaphore_mem>>)
      tpu.wait_dma2 semaphore(%run_scoped3A : memref<!tpu.dma_semaphore, #tpu.memory_space<semaphore_mem>>) src(%arg2 : memref<32x1024xf32, #tpu.memory_space<hbm>>) dst(%arg5 : memref<32x1024xf32, #tpu.memory_space<vmem>>)
      tpu.yield
    }) : () -> ()
    %add3A_1 = arith.constant 0 : i32
    %add3A_2 = arith.addi %add3A_1, %add3A : i32
    %jit3A = arith.constant 1 : i32
    %div3A = arith.divsi %add3A_2, %jit3A : i32
    %sign3A = arith.constant 0 : i32
    %sign3A_3 = arith.cmpi sgt, %add3A_2, %sign3A : i32
    %sign3A_4 = arith.extui %sign3A_3 : i1 to i32
    %sign3A_5 = arith.constant 0 : i32
    %sign3A_6 = arith.cmpi slt, %add3A_2, %sign3A_5 : i32
    %sign3A_7 = arith.extui %sign3A_6 : i1 to i32
    %sign3A_8 = arith.subi %sign3A_4, %sign3A_7 : i32
    %sign3A_9 = arith.constant 0 : i32
    %sign3A_10 = arith.cmpi sgt, %jit3A, %sign3A_9 : i32
    %sign3A_11 = arith.extui %sign3A_10 : i1 to i32
    %sign3A_12 = arith.constant 0 : i32
    %sign3A_13 = arith.cmpi slt, %jit3A, %sign3A_12 : i32
    %sign3A_14 = arith.extui %sign3A_13 : i1 to i32
    %sign3A_15 = arith.subi %sign3A_11, %sign3A_14 : i32
    %ne3A = arith.cmpi ne, %sign3A_8, %sign3A_15 : i32
    %rem3A = arith.remsi %add3A_2, %jit3A : i32
    %ne3A_16 = arith.constant 0 : i32
    %ne3A_17 = arith.cmpi ne, %rem3A, %ne3A_16 : i32
    %and3A = arith.andi %ne3A, %ne3A_17 : i1
    %sub3A = arith.constant 1 : i32
    %sub3A_18 = arith.subi %div3A, %sub3A : i32
    %select_n3A = arith.select %and3A, %sub3A_18, %div3A : i32
    %jit3A_19 = arith.constant 1 : i32
    %eq3A = arith.constant 0 : i32
    %eq3A_20 = arith.cmpi eq, %jit3A_19, %eq3A : i32
    %jit3A_21 = arith.constant 1 : i32
    %select_n3A_22 = arith.select %eq3A_20, %jit3A_21, %jit3A_19 : i32
    %rem3A_23 = arith.remsi %add3A_2, %select_n3A_22 : i32
    %ne3A_24 = arith.constant 0 : i32
    %ne3A_25 = arith.cmpi ne, %rem3A_23, %ne3A_24 : i32
    %lt3A = arith.constant 0 : i32
    %lt3A_26 = arith.cmpi slt, %rem3A_23, %lt3A : i32
    %lt3A_27 = arith.constant 0 : i32
    %lt3A_28 = arith.cmpi slt, %select_n3A_22, %lt3A_27 : i32
    %ne3A_29 = arith.xori %lt3A_26, %lt3A_28 : i1
    %and3A_30 = arith.andi %ne3A_29, %ne3A_25 : i1
    %add3A_31 = arith.addi %rem3A_23, %select_n3A_22 : i32
    %select_n3A_32 = arith.select %and3A_30, %add3A_31, %rem3A_23 : i32
    %mul3A_33 = arith.constant 1024 : i32
    %mul3A_34 = arith.muli %select_n3A_32, %mul3A_33 : i32
    %add3A_35 = arith.constant 0 : i32
    %add3A_36 = arith.addi %add3A_35, %select_n3A : i32
    "tpu.region"() ({
      %run_scoped3A = tpu.sem_alloc : memref<!tpu.dma_semaphore, #tpu.memory_space<semaphore_mem>>
      %dma_start3A = tpu.memref_slice %arg3[%add3A_36, %mul3A_34] : memref<50x1024xi32, #tpu.memory_space<hbm>> -> memref<1x1024xi32, #tpu.memory_space<hbm>>
      %dma_start3A_42 = tpu.memref_squeeze %dma_start3A : memref<1x1024xi32, #tpu.memory_space<hbm>> -> memref<1024xi32, #tpu.memory_space<hbm>>
      %dma_start3A_43 = tpu.memref_slice %arg3[%add3A_36, %mul3A_34] : memref<50x1024xi32, #tpu.memory_space<hbm>> -> memref<1x1024xi32, #tpu.memory_space<hbm>>
      %dma_start3A_44 = tpu.memref_squeeze %dma_start3A_43 : memref<1x1024xi32, #tpu.memory_space<hbm>> -> memref<1024xi32, #tpu.memory_space<hbm>>
      tpu.enqueue_dma source(%dma_start3A_44 : memref<1024xi32, #tpu.memory_space<hbm>>) target(%arg6 : memref<1024xi32, #tpu.memory_space<vmem>>) target_semaphore(%run_scoped3A : memref<!tpu.dma_semaphore, #tpu.memory_space<semaphore_mem>>)
      %dma_wait3A = tpu.memref_slice %arg3[%add3A_36, %mul3A_34] : memref<50x1024xi32, #tpu.memory_space<hbm>> -> memref<1x1024xi32, #tpu.memory_space<hbm>>
      %dma_wait3A_45 = tpu.memref_squeeze %dma_wait3A : memref<1x1024xi32, #tpu.memory_space<hbm>> -> memref<1024xi32, #tpu.memory_space<hbm>>
      %dma_wait3A_46 = tpu.memref_slice %arg3[%add3A_36, %mul3A_34] : memref<50x1024xi32, #tpu.memory_space<hbm>> -> memref<1x1024xi32, #tpu.memory_space<hbm>>
      %dma_wait3A_47 = tpu.memref_squeeze %dma_wait3A_46 : memref<1x1024xi32, #tpu.memory_space<hbm>> -> memref<1024xi32, #tpu.memory_space<hbm>>
      tpu.wait_dma2 semaphore(%run_scoped3A : memref<!tpu.dma_semaphore, #tpu.memory_space<semaphore_mem>>) src(%dma_wait3A_47 : memref<1024xi32, #tpu.memory_space<hbm>>) dst(%arg6 : memref<1024xi32, #tpu.memory_space<vmem>>)
      tpu.yield
    }) : () -> ()
    %scan3A = arith.constant 0 : i32
    %scan3A_37 = arith.constant 0 : i32
    %scan3A_38 = arith.constant 64 : i32
    %scan3A_39 = arith.addi %scan3A_37, %scan3A_38 : i32
    %scan3A_40 = arith.constant 1 : i32
    scf.for %scan3A_42 = %scan3A_37 to %scan3A_39 step %scan3A_40  : i32 {
      %mul3A_43 = arith.constant 16 : i32
      %mul3A_44 = arith.muli %scan3A_42, %mul3A_43 : i32
      %get3A = arith.index_cast %mul3A_44 : i32 to index
      %get3A_45 = tpu.vector_load %arg6[%get3A] {strides = array<i32>} : memref<1024xi32, #tpu.memory_space<vmem>>, vector<16xi32>,
      %broadcast_in_dim3A = arith.constant 0 : i32
      %broadcast_in_dim3A_46 = vector.broadcast %broadcast_in_dim3A : i32 to vector<16xi32>
      %gather3A = tpu.vector_load_idx %arg5[%broadcast_in_dim3A_46, %get3A_45] : memref<32x1024xf32, #tpu.memory_space<vmem>>[vector<16xi32>, vector<16xi32>], vector<16xf32>,
      %mul3A_47 = arith.constant 16 : i32
      %mul3A_48 = arith.muli %scan3A_42, %mul3A_47 : i32
      %swap3A = arith.constant 0 : i32
      %swap3A_49 = arith.index_cast %swap3A : i32 to index
      %swap3A_50 = arith.index_cast %mul3A_48 : i32 to index
      %swap3A_51 = tpu.vector_load %arg7[%swap3A_49, %swap3A_50] {strides = array<i32>} : memref<32x1024xf32, #tpu.memory_space<vmem>>, vector<16xf32>,
      tpu.vector_store %arg7[%swap3A_49, %swap3A_50], %gather3A {strides = array<i32>} : memref<32x1024xf32, #tpu.memory_space<vmem>>, vector<16xf32>,
      %broadcast_in_dim3A_52 = arith.constant 1 : i32
      %broadcast_in_dim3A_53 = vector.broadcast %broadcast_in_dim3A_52 : i32 to vector<16xi32>
      %gather3A_54 = tpu.vector_load_idx %arg5[%broadcast_in_dim3A_53, %get3A_45] : memref<32x1024xf32, #tpu.memory_space<vmem>>[vector<16xi32>, vector<16xi32>], vector<16xf32>,
      %mul3A_55 = arith.constant 16 : i32
      %mul3A_56 = arith.muli %scan3A_42, %mul3A_55 : i32
      %swap3A_57 = arith.constant 1 : i32
      %swap3A_58 = arith.index_cast %swap3A_57 : i32 to index
      %swap3A_59 = arith.index_cast %mul3A_56 : i32 to index
      %swap3A_60 = tpu.vector_load %arg7[%swap3A_58, %swap3A_59] {strides = array<i32>} : memref<32x1024xf32, #tpu.memory_space<vmem>>, vector<16xf32>,
      tpu.vector_store %arg7[%swap3A_58, %swap3A_59], %gather3A_54 {strides = array<i32>} : memref<32x1024xf32, #tpu.memory_space<vmem>>, vector<16xf32>,
      %broadcast_in_dim3A_61 = arith.constant 2 : i32
      %broadcast_in_dim3A_62 = vector.broadcast %broadcast_in_dim3A_61 : i32 to vector<16xi32>
      %gather3A_63 = tpu.vector_load_idx %arg5[%broadcast_in_dim3A_62, %get3A_45] : memref<32x1024xf32, #tpu.memory_space<vmem>>[vector<16xi32>, vector<16xi32>], vector<16xf32>,
      %mul3A_64 = arith.constant 16 : i32
      %mul3A_65 = arith.muli %scan3A_42, %mul3A_64 : i32
      %swap3A_66 = arith.constant 2 : i32
      %swap3A_67 = arith.index_cast %swap3A_66 : i32 to index
      %swap3A_68 = arith.index_cast %mul3A_65 : i32 to index
      %swap3A_69 = tpu.vector_load %arg7[%swap3A_67, %swap3A_68] {strides = array<i32>} : memref<32x1024xf32, #tpu.memory_space<vmem>>, vector<16xf32>,
      tpu.vector_store %arg7[%swap3A_67, %swap3A_68], %gather3A_63 {strides = array<i32>} : memref<32x1024xf32, #tpu.memory_space<vmem>>, vector<16xf32>,
      %broadcast_in_dim3A_70 = arith.constant 3 : i32
      %broadcast_in_dim3A_71 = vector.broadcast %broadcast_in_dim3A_70 : i32 to vector<16xi32>
      %gather3A_72 = tpu.vector_load_idx %arg5[%broadcast_in_dim3A_71, %get3A_45] : memref<32x1024xf32, #tpu.memory_space<vmem>>[vector<16xi32>, vector<16xi32>], vector<16xf32>,
      %mul3A_73 = arith.constant 16 : i32
      %mul3A_74 = arith.muli %scan3A_42, %mul3A_73 : i32
      %swap3A_75 = arith.constant 3 : i32
      %swap3A_76 = arith.index_cast %swap3A_75 : i32 to index
      %swap3A_77 = arith.index_cast %mul3A_74 : i32 to index
      %swap3A_78 = tpu.vector_load %arg7[%swap3A_76, %swap3A_77] {strides = array<i32>} : memref<32x1024xf32, #tpu.memory_space<vmem>>, vector<16xf32>,
      tpu.vector_store %arg7[%swap3A_76, %swap3A_77], %gather3A_72 {strides = array<i32>} : memref<32x1024xf32, #tpu.memory_space<vmem>>, vector<16xf32>,
      %broadcast_in_dim3A_79 = arith.constant 4 : i32
      %broadcast_in_dim3A_80 = vector.broadcast %broadcast_in_dim3A_79 : i32 to vector<16xi32>
      %gather3A_81 = tpu.vector_load_idx %arg5[%broadcast_in_dim3A_80, %get3A_45] : memref<32x1024xf32, #tpu.memory_space<vmem>>[vector<16xi32>, vector<16xi32>], vector<16xf32>,
      %mul3A_82 = arith.constant 16 : i32
      %mul3A_83 = arith.muli %scan3A_42, %mul3A_82 : i32
      %swap3A_84 = arith.constant 4 : i32
      %swap3A_85 = arith.index_cast %swap3A_84 : i32 to index
      %swap3A_86 = arith.index_cast %mul3A_83 : i32 to index
      %swap3A_87 = tpu.vector_load %arg7[%swap3A_85, %swap3A_86] {strides = array<i32>} : memref<32x1024xf32, #tpu.memory_space<vmem>>, vector<16xf32>,
      tpu.vector_store %arg7[%swap3A_85, %swap3A_86], %gather3A_81 {strides = array<i32>} : memref<32x1024xf32, #tpu.memory_space<vmem>>, vector<16xf32>,
      %broadcast_in_dim3A_88 = arith.constant 5 : i32
      %broadcast_in_dim3A_89 = vector.broadcast %broadcast_in_dim3A_88 : i32 to vector<16xi32>
      %gather3A_90 = tpu.vector_load_idx %arg5[%broadcast_in_dim3A_89, %get3A_45] : memref<32x1024xf32, #tpu.memory_space<vmem>>[vector<16xi32>, vector<16xi32>], vector<16xf32>,
      %mul3A_91 = arith.constant 16 : i32
      %mul3A_92 = arith.muli %scan3A_42, %mul3A_91 : i32
      %swap3A_93 = arith.constant 5 : i32
      %swap3A_94 = arith.index_cast %swap3A_93 : i32 to index
      %swap3A_95 = arith.index_cast %mul3A_92 : i32 to index
      %swap3A_96 = tpu.vector_load %arg7[%swap3A_94, %swap3A_95] {strides = array<i32>} : memref<32x1024xf32, #tpu.memory_space<vmem>>, vector<16xf32>,
      tpu.vector_store %arg7[%swap3A_94, %swap3A_95], %gather3A_90 {strides = array<i32>} : memref<32x1024xf32, #tpu.memory_space<vmem>>, vector<16xf32>,
      %broadcast_in_dim3A_97 = arith.constant 6 : i32
      %broadcast_in_dim3A_98 = vector.broadcast %broadcast_in_dim3A_97 : i32 to vector<16xi32>
      %gather3A_99 = tpu.vector_load_idx %arg5[%broadcast_in_dim3A_98, %get3A_45] : memref<32x1024xf32, #tpu.memory_space<vmem>>[vector<16xi32>, vector<16xi32>], vector<16xf32>,
      %mul3A_100 = arith.constant 16 : i32
      %mul3A_101 = arith.muli %scan3A_42, %mul3A_100 : i32
      %swap3A_102 = arith.constant 6 : i32
      %swap3A_103 = arith.index_cast %swap3A_102 : i32 to index
      %swap3A_104 = arith.index_cast %mul3A_101 : i32 to index
      %swap3A_105 = tpu.vector_load %arg7[%swap3A_103, %swap3A_104] {strides = array<i32>} : memref<32x1024xf32, #tpu.memory_space<vmem>>, vector<16xf32>,
      tpu.vector_store %arg7[%swap3A_103, %swap3A_104], %gather3A_99 {strides = array<i32>} : memref<32x1024xf32, #tpu.memory_space<vmem>>, vector<16xf32>,
      %broadcast_in_dim3A_106 = arith.constant 7 : i32
      %broadcast_in_dim3A_107 = vector.broadcast %broadcast_in_dim3A_106 : i32 to vector<16xi32>
      %gather3A_108 = tpu.vector_load_idx %arg5[%broadcast_in_dim3A_107, %get3A_45] : memref<32x1024xf32, #tpu.memory_space<vmem>>[vector<16xi32>, vector<16xi32>], vector<16xf32>,
      %mul3A_109 = arith.constant 16 : i32
      %mul3A_110 = arith.muli %scan3A_42, %mul3A_109 : i32
      %swap3A_111 = arith.constant 7 : i32
      %swap3A_112 = arith.index_cast %swap3A_111 : i32 to index
      %swap3A_113 = arith.index_cast %mul3A_110 : i32 to index
      %swap3A_114 = tpu.vector_load %arg7[%swap3A_112, %swap3A_113] {strides = array<i32>} : memref<32x1024xf32, #tpu.memory_space<vmem>>, vector<16xf32>,
      tpu.vector_store %arg7[%swap3A_112, %swap3A_113], %gather3A_108 {strides = array<i32>} : memref<32x1024xf32, #tpu.memory_space<vmem>>, vector<16xf32>,
      %broadcast_in_dim3A_115 = arith.constant 8 : i32
      %broadcast_in_dim3A_116 = vector.broadcast %broadcast_in_dim3A_115 : i32 to vector<16xi32>
      %gather3A_117 = tpu.vector_load_idx %arg5[%broadcast_in_dim3A_116, %get3A_45] : memref<32x1024xf32, #tpu.memory_space<vmem>>[vector<16xi32>, vector<16xi32>], vector<16xf32>,
      %mul3A_118 = arith.constant 16 : i32
      %mul3A_119 = arith.muli %scan3A_42, %mul3A_118 : i32
      %swap3A_120 = arith.constant 8 : i32
      %swap3A_121 = arith.index_cast %swap3A_120 : i32 to index
      %swap3A_122 = arith.index_cast %mul3A_119 : i32 to index
      %swap3A_123 = tpu.vector_load %arg7[%swap3A_121, %swap3A_122] {strides = array<i32>} : memref<32x1024xf32, #tpu.memory_space<vmem>>, vector<16xf32>,
      tpu.vector_store %arg7[%swap3A_121, %swap3A_122], %gather3A_117 {strides = array<i32>} : memref<32x1024xf32, #tpu.memory_space<vmem>>, vector<16xf32>,
      %broadcast_in_dim3A_124 = arith.constant 9 : i32
      %broadcast_in_dim3A_125 = vector.broadcast %broadcast_in_dim3A_124 : i32 to vector<16xi32>
      %gather3A_126 = tpu.vector_load_idx %arg5[%broadcast_in_dim3A_125, %get3A_45] : memref<32x1024xf32, #tpu.memory_space<vmem>>[vector<16xi32>, vector<16xi32>], vector<16xf32>,
      %mul3A_127 = arith.constant 16 : i32
      %mul3A_128 = arith.muli %scan3A_42, %mul3A_127 : i32
      %swap3A_129 = arith.constant 9 : i32
      %swap3A_130 = arith.index_cast %swap3A_129 : i32 to index
      %swap3A_131 = arith.index_cast %mul3A_128 : i32 to index
      %swap3A_132 = tpu.vector_load %arg7[%swap3A_130, %swap3A_131] {strides = array<i32>} : memref<32x1024xf32, #tpu.memory_space<vmem>>, vector<16xf32>,
      tpu.vector_store %arg7[%swap3A_130, %swap3A_131], %gather3A_126 {strides = array<i32>} : memref<32x1024xf32, #tpu.memory_space<vmem>>, vector<16xf32>,
      %broadcast_in_dim3A_133 = arith.constant 10 : i32
      %broadcast_in_dim3A_134 = vector.broadcast %broadcast_in_dim3A_133 : i32 to vector<16xi32>
      %gather3A_135 = tpu.vector_load_idx %arg5[%broadcast_in_dim3A_134, %get3A_45] : memref<32x1024xf32, #tpu.memory_space<vmem>>[vector<16xi32>, vector<16xi32>], vector<16xf32>,
      %mul3A_136 = arith.constant 16 : i32
      %mul3A_137 = arith.muli %scan3A_42, %mul3A_136 : i32
      %swap3A_138 = arith.constant 10 : i32
      %swap3A_139 = arith.index_cast %swap3A_138 : i32 to index
      %swap3A_140 = arith.index_cast %mul3A_137 : i32 to index
      %swap3A_141 = tpu.vector_load %arg7[%swap3A_139, %swap3A_140] {strides = array<i32>} : memref<32x1024xf32, #tpu.memory_space<vmem>>, vector<16xf32>,
      tpu.vector_store %arg7[%swap3A_139, %swap3A_140], %gather3A_135 {strides = array<i32>} : memref<32x1024xf32, #tpu.memory_space<vmem>>, vector<16xf32>,
      %broadcast_in_dim3A_142 = arith.constant 11 : i32
      %broadcast_in_dim3A_143 = vector.broadcast %broadcast_in_dim3A_142 : i32 to vector<16xi32>
      %gather3A_144 = tpu.vector_load_idx %arg5[%broadcast_in_dim3A_143, %get3A_45] : memref<32x1024xf32, #tpu.memory_space<vmem>>[vector<16xi32>, vector<16xi32>], vector<16xf32>,
      %mul3A_145 = arith.constant 16 : i32
      %mul3A_146 = arith.muli %scan3A_42, %mul3A_145 : i32
      %swap3A_147 = arith.constant 11 : i32
      %swap3A_148 = arith.index_cast %swap3A_147 : i32 to index
      %swap3A_149 = arith.index_cast %mul3A_146 : i32 to index
      %swap3A_150 = tpu.vector_load %arg7[%swap3A_148, %swap3A_149] {strides = array<i32>} : memref<32x1024xf32, #tpu.memory_space<vmem>>, vector<16xf32>,
      tpu.vector_store %arg7[%swap3A_148, %swap3A_149], %gather3A_144 {strides = array<i32>} : memref<32x1024xf32, #tpu.memory_space<vmem>>, vector<16xf32>,
      %broadcast_in_dim3A_151 = arith.constant 12 : i32
      %broadcast_in_dim3A_152 = vector.broadcast %broadcast_in_dim3A_151 : i32 to vector<16xi32>
      %gather3A_153 = tpu.vector_load_idx %arg5[%broadcast_in_dim3A_152, %get3A_45] : memref<32x1024xf32, #tpu.memory_space<vmem>>[vector<16xi32>, vector<16xi32>], vector<16xf32>,
      %mul3A_154 = arith.constant 16 : i32
      %mul3A_155 = arith.muli %scan3A_42, %mul3A_154 : i32
      %swap3A_156 = arith.constant 12 : i32
      %swap3A_157 = arith.index_cast %swap3A_156 : i32 to index
      %swap3A_158 = arith.index_cast %mul3A_155 : i32 to index
      %swap3A_159 = tpu.vector_load %arg7[%swap3A_157, %swap3A_158] {strides = array<i32>} : memref<32x1024xf32, #tpu.memory_space<vmem>>, vector<16xf32>,
      tpu.vector_store %arg7[%swap3A_157, %swap3A_158], %gather3A_153 {strides = array<i32>} : memref<32x1024xf32, #tpu.memory_space<vmem>>, vector<16xf32>,
      %broadcast_in_dim3A_160 = arith.constant 13 : i32
      %broadcast_in_dim3A_161 = vector.broadcast %broadcast_in_dim3A_160 : i32 to vector<16xi32>
      %gather3A_162 = tpu.vector_load_idx %arg5[%broadcast_in_dim3A_161, %get3A_45] : memref<32x1024xf32, #tpu.memory_space<vmem>>[vector<16xi32>, vector<16xi32>], vector<16xf32>,
      %mul3A_163 = arith.constant 16 : i32
      %mul3A_164 = arith.muli %scan3A_42, %mul3A_163 : i32
      %swap3A_165 = arith.constant 13 : i32
      %swap3A_166 = arith.index_cast %swap3A_165 : i32 to index
      %swap3A_167 = arith.index_cast %mul3A_164 : i32 to index
      %swap3A_168 = tpu.vector_load %arg7[%swap3A_166, %swap3A_167] {strides = array<i32>} : memref<32x1024xf32, #tpu.memory_space<vmem>>, vector<16xf32>,
      tpu.vector_store %arg7[%swap3A_166, %swap3A_167], %gather3A_162 {strides = array<i32>} : memref<32x1024xf32, #tpu.memory_space<vmem>>, vector<16xf32>,
      %broadcast_in_dim3A_169 = arith.constant 14 : i32
      %broadcast_in_dim3A_170 = vector.broadcast %broadcast_in_dim3A_169 : i32 to vector<16xi32>
      %gather3A_171 = tpu.vector_load_idx %arg5[%broadcast_in_dim3A_170, %get3A_45] : memref<32x1024xf32, #tpu.memory_space<vmem>>[vector<16xi32>, vector<16xi32>], vector<16xf32>,
      %mul3A_172 = arith.constant 16 : i32
      %mul3A_173 = arith.muli %scan3A_42, %mul3A_172 : i32
      %swap3A_174 = arith.constant 14 : i32
      %swap3A_175 = arith.index_cast %swap3A_174 : i32 to index
      %swap3A_176 = arith.index_cast %mul3A_173 : i32 to index
      %swap3A_177 = tpu.vector_load %arg7[%swap3A_175, %swap3A_176] {strides = array<i32>} : memref<32x1024xf32, #tpu.memory_space<vmem>>, vector<16xf32>,
      tpu.vector_store %arg7[%swap3A_175, %swap3A_176], %gather3A_171 {strides = array<i32>} : memref<32x1024xf32, #tpu.memory_space<vmem>>, vector<16xf32>,
      %broadcast_in_dim3A_178 = arith.constant 15 : i32
      %broadcast_in_dim3A_179 = vector.broadcast %broadcast_in_dim3A_178 : i32 to vector<16xi32>
      %gather3A_180 = tpu.vector_load_idx %arg5[%broadcast_in_dim3A_179, %get3A_45] : memref<32x1024xf32, #tpu.memory_space<vmem>>[vector<16xi32>, vector<16xi32>], vector<16xf32>,
      %mul3A_181 = arith.constant 16 : i32
      %mul3A_182 = arith.muli %scan3A_42, %mul3A_181 : i32
      %swap3A_183 = arith.constant 15 : i32
      %swap3A_184 = arith.index_cast %swap3A_183 : i32 to index
      %swap3A_185 = arith.index_cast %mul3A_182 : i32 to index
      %swap3A_186 = tpu.vector_load %arg7[%swap3A_184, %swap3A_185] {strides = array<i32>} : memref<32x1024xf32, #tpu.memory_space<vmem>>, vector<16xf32>,
      tpu.vector_store %arg7[%swap3A_184, %swap3A_185], %gather3A_180 {strides = array<i32>} : memref<32x1024xf32, #tpu.memory_space<vmem>>, vector<16xf32>,
      %broadcast_in_dim3A_187 = arith.constant 16 : i32
      %broadcast_in_dim3A_188 = vector.broadcast %broadcast_in_dim3A_187 : i32 to vector<16xi32>
      %gather3A_189 = tpu.vector_load_idx %arg5[%broadcast_in_dim3A_188, %get3A_45] : memref<32x1024xf32, #tpu.memory_space<vmem>>[vector<16xi32>, vector<16xi32>], vector<16xf32>,
      %mul3A_190 = arith.constant 16 : i32
      %mul3A_191 = arith.muli %scan3A_42, %mul3A_190 : i32
      %swap3A_192 = arith.constant 16 : i32
      %swap3A_193 = arith.index_cast %swap3A_192 : i32 to index
      %swap3A_194 = arith.index_cast %mul3A_191 : i32 to index
      %swap3A_195 = tpu.vector_load %arg7[%swap3A_193, %swap3A_194] {strides = array<i32>} : memref<32x1024xf32, #tpu.memory_space<vmem>>, vector<16xf32>,
      tpu.vector_store %arg7[%swap3A_193, %swap3A_194], %gather3A_189 {strides = array<i32>} : memref<32x1024xf32, #tpu.memory_space<vmem>>, vector<16xf32>,
      %broadcast_in_dim3A_196 = arith.constant 17 : i32
      %broadcast_in_dim3A_197 = vector.broadcast %broadcast_in_dim3A_196 : i32 to vector<16xi32>
      %gather3A_198 = tpu.vector_load_idx %arg5[%broadcast_in_dim3A_197, %get3A_45] : memref<32x1024xf32, #tpu.memory_space<vmem>>[vector<16xi32>, vector<16xi32>], vector<16xf32>,
      %mul3A_199 = arith.constant 16 : i32
      %mul3A_200 = arith.muli %scan3A_42, %mul3A_199 : i32
      %swap3A_201 = arith.constant 17 : i32
      %swap3A_202 = arith.index_cast %swap3A_201 : i32 to index
      %swap3A_203 = arith.index_cast %mul3A_200 : i32 to index
      %swap3A_204 = tpu.vector_load %arg7[%swap3A_202, %swap3A_203] {strides = array<i32>} : memref<32x1024xf32, #tpu.memory_space<vmem>>, vector<16xf32>,
      tpu.vector_store %arg7[%swap3A_202, %swap3A_203], %gather3A_198 {strides = array<i32>} : memref<32x1024xf32, #tpu.memory_space<vmem>>, vector<16xf32>,
      %broadcast_in_dim3A_205 = arith.constant 18 : i32
      %broadcast_in_dim3A_206 = vector.broadcast %broadcast_in_dim3A_205 : i32 to vector<16xi32>
      %gather3A_207 = tpu.vector_load_idx %arg5[%broadcast_in_dim3A_206, %get3A_45] : memref<32x1024xf32, #tpu.memory_space<vmem>>[vector<16xi32>, vector<16xi32>], vector<16xf32>,
      %mul3A_208 = arith.constant 16 : i32
      %mul3A_209 = arith.muli %scan3A_42, %mul3A_208 : i32
      %swap3A_210 = arith.constant 18 : i32
      %swap3A_211 = arith.index_cast %swap3A_210 : i32 to index
      %swap3A_212 = arith.index_cast %mul3A_209 : i32 to index
      %swap3A_213 = tpu.vector_load %arg7[%swap3A_211, %swap3A_212] {strides = array<i32>} : memref<32x1024xf32, #tpu.memory_space<vmem>>, vector<16xf32>,
      tpu.vector_store %arg7[%swap3A_211, %swap3A_212], %gather3A_207 {strides = array<i32>} : memref<32x1024xf32, #tpu.memory_space<vmem>>, vector<16xf32>,
      %broadcast_in_dim3A_214 = arith.constant 19 : i32
      %broadcast_in_dim3A_215 = vector.broadcast %broadcast_in_dim3A_214 : i32 to vector<16xi32>
      %gather3A_216 = tpu.vector_load_idx %arg5[%broadcast_in_dim3A_215, %get3A_45] : memref<32x1024xf32, #tpu.memory_space<vmem>>[vector<16xi32>, vector<16xi32>], vector<16xf32>,
      %mul3A_217 = arith.constant 16 : i32
      %mul3A_218 = arith.muli %scan3A_42, %mul3A_217 : i32
      %swap3A_219 = arith.constant 19 : i32
      %swap3A_220 = arith.index_cast %swap3A_219 : i32 to index
      %swap3A_221 = arith.index_cast %mul3A_218 : i32 to index
      %swap3A_222 = tpu.vector_load %arg7[%swap3A_220, %swap3A_221] {strides = array<i32>} : memref<32x1024xf32, #tpu.memory_space<vmem>>, vector<16xf32>,
      tpu.vector_store %arg7[%swap3A_220, %swap3A_221], %gather3A_216 {strides = array<i32>} : memref<32x1024xf32, #tpu.memory_space<vmem>>, vector<16xf32>,
      %broadcast_in_dim3A_223 = arith.constant 20 : i32
      %broadcast_in_dim3A_224 = vector.broadcast %broadcast_in_dim3A_223 : i32 to vector<16xi32>
      %gather3A_225 = tpu.vector_load_idx %arg5[%broadcast_in_dim3A_224, %get3A_45] : memref<32x1024xf32, #tpu.memory_space<vmem>>[vector<16xi32>, vector<16xi32>], vector<16xf32>,
      %mul3A_226 = arith.constant 16 : i32
      %mul3A_227 = arith.muli %scan3A_42, %mul3A_226 : i32
      %swap3A_228 = arith.constant 20 : i32
      %swap3A_229 = arith.index_cast %swap3A_228 : i32 to index
      %swap3A_230 = arith.index_cast %mul3A_227 : i32 to index
      %swap3A_231 = tpu.vector_load %arg7[%swap3A_229, %swap3A_230] {strides = array<i32>} : memref<32x1024xf32, #tpu.memory_space<vmem>>, vector<16xf32>,
      tpu.vector_store %arg7[%swap3A_229, %swap3A_230], %gather3A_225 {strides = array<i32>} : memref<32x1024xf32, #tpu.memory_space<vmem>>, vector<16xf32>,
      %broadcast_in_dim3A_232 = arith.constant 21 : i32
      %broadcast_in_dim3A_233 = vector.broadcast %broadcast_in_dim3A_232 : i32 to vector<16xi32>
      %gather3A_234 = tpu.vector_load_idx %arg5[%broadcast_in_dim3A_233, %get3A_45] : memref<32x1024xf32, #tpu.memory_space<vmem>>[vector<16xi32>, vector<16xi32>], vector<16xf32>,
      %mul3A_235 = arith.constant 16 : i32
      %mul3A_236 = arith.muli %scan3A_42, %mul3A_235 : i32
      %swap3A_237 = arith.constant 21 : i32
      %swap3A_238 = arith.index_cast %swap3A_237 : i32 to index
      %swap3A_239 = arith.index_cast %mul3A_236 : i32 to index
      %swap3A_240 = tpu.vector_load %arg7[%swap3A_238, %swap3A_239] {strides = array<i32>} : memref<32x1024xf32, #tpu.memory_space<vmem>>, vector<16xf32>,
      tpu.vector_store %arg7[%swap3A_238, %swap3A_239], %gather3A_234 {strides = array<i32>} : memref<32x1024xf32, #tpu.memory_space<vmem>>, vector<16xf32>,
      %broadcast_in_dim3A_241 = arith.constant 22 : i32
      %broadcast_in_dim3A_242 = vector.broadcast %broadcast_in_dim3A_241 : i32 to vector<16xi32>
      %gather3A_243 = tpu.vector_load_idx %arg5[%broadcast_in_dim3A_242, %get3A_45] : memref<32x1024xf32, #tpu.memory_space<vmem>>[vector<16xi32>, vector<16xi32>], vector<16xf32>,
      %mul3A_244 = arith.constant 16 : i32
      %mul3A_245 = arith.muli %scan3A_42, %mul3A_244 : i32
      %swap3A_246 = arith.constant 22 : i32
      %swap3A_247 = arith.index_cast %swap3A_246 : i32 to index
      %swap3A_248 = arith.index_cast %mul3A_245 : i32 to index
      %swap3A_249 = tpu.vector_load %arg7[%swap3A_247, %swap3A_248] {strides = array<i32>} : memref<32x1024xf32, #tpu.memory_space<vmem>>, vector<16xf32>,
      tpu.vector_store %arg7[%swap3A_247, %swap3A_248], %gather3A_243 {strides = array<i32>} : memref<32x1024xf32, #tpu.memory_space<vmem>>, vector<16xf32>,
      %broadcast_in_dim3A_250 = arith.constant 23 : i32
      %broadcast_in_dim3A_251 = vector.broadcast %broadcast_in_dim3A_250 : i32 to vector<16xi32>
      %gather3A_252 = tpu.vector_load_idx %arg5[%broadcast_in_dim3A_251, %get3A_45] : memref<32x1024xf32, #tpu.memory_space<vmem>>[vector<16xi32>, vector<16xi32>], vector<16xf32>,
      %mul3A_253 = arith.constant 16 : i32
      %mul3A_254 = arith.muli %scan3A_42, %mul3A_253 : i32
      %swap3A_255 = arith.constant 23 : i32
      %swap3A_256 = arith.index_cast %swap3A_255 : i32 to index
      %swap3A_257 = arith.index_cast %mul3A_254 : i32 to index
      %swap3A_258 = tpu.vector_load %arg7[%swap3A_256, %swap3A_257] {strides = array<i32>} : memref<32x1024xf32, #tpu.memory_space<vmem>>, vector<16xf32>,
      tpu.vector_store %arg7[%swap3A_256, %swap3A_257], %gather3A_252 {strides = array<i32>} : memref<32x1024xf32, #tpu.memory_space<vmem>>, vector<16xf32>,
      %broadcast_in_dim3A_259 = arith.constant 24 : i32
      %broadcast_in_dim3A_260 = vector.broadcast %broadcast_in_dim3A_259 : i32 to vector<16xi32>
      %gather3A_261 = tpu.vector_load_idx %arg5[%broadcast_in_dim3A_260, %get3A_45] : memref<32x1024xf32, #tpu.memory_space<vmem>>[vector<16xi32>, vector<16xi32>], vector<16xf32>,
      %mul3A_262 = arith.constant 16 : i32
      %mul3A_263 = arith.muli %scan3A_42, %mul3A_262 : i32
      %swap3A_264 = arith.constant 24 : i32
      %swap3A_265 = arith.index_cast %swap3A_264 : i32 to index
      %swap3A_266 = arith.index_cast %mul3A_263 : i32 to index
      %swap3A_267 = tpu.vector_load %arg7[%swap3A_265, %swap3A_266] {strides = array<i32>} : memref<32x1024xf32, #tpu.memory_space<vmem>>, vector<16xf32>,
      tpu.vector_store %arg7[%swap3A_265, %swap3A_266], %gather3A_261 {strides = array<i32>} : memref<32x1024xf32, #tpu.memory_space<vmem>>, vector<16xf32>,
      %broadcast_in_dim3A_268 = arith.constant 25 : i32
      %broadcast_in_dim3A_269 = vector.broadcast %broadcast_in_dim3A_268 : i32 to vector<16xi32>
      %gather3A_270 = tpu.vector_load_idx %arg5[%broadcast_in_dim3A_269, %get3A_45] : memref<32x1024xf32, #tpu.memory_space<vmem>>[vector<16xi32>, vector<16xi32>], vector<16xf32>,
      %mul3A_271 = arith.constant 16 : i32
      %mul3A_272 = arith.muli %scan3A_42, %mul3A_271 : i32
      %swap3A_273 = arith.constant 25 : i32
      %swap3A_274 = arith.index_cast %swap3A_273 : i32 to index
      %swap3A_275 = arith.index_cast %mul3A_272 : i32 to index
      %swap3A_276 = tpu.vector_load %arg7[%swap3A_274, %swap3A_275] {strides = array<i32>} : memref<32x1024xf32, #tpu.memory_space<vmem>>, vector<16xf32>,
      tpu.vector_store %arg7[%swap3A_274, %swap3A_275], %gather3A_270 {strides = array<i32>} : memref<32x1024xf32, #tpu.memory_space<vmem>>, vector<16xf32>,
      %broadcast_in_dim3A_277 = arith.constant 26 : i32
      %broadcast_in_dim3A_278 = vector.broadcast %broadcast_in_dim3A_277 : i32 to vector<16xi32>
      %gather3A_279 = tpu.vector_load_idx %arg5[%broadcast_in_dim3A_278, %get3A_45] : memref<32x1024xf32, #tpu.memory_space<vmem>>[vector<16xi32>, vector<16xi32>], vector<16xf32>,
      %mul3A_280 = arith.constant 16 : i32
      %mul3A_281 = arith.muli %scan3A_42, %mul3A_280 : i32
      %swap3A_282 = arith.constant 26 : i32
      %swap3A_283 = arith.index_cast %swap3A_282 : i32 to index
      %swap3A_284 = arith.index_cast %mul3A_281 : i32 to index
      %swap3A_285 = tpu.vector_load %arg7[%swap3A_283, %swap3A_284] {strides = array<i32>} : memref<32x1024xf32, #tpu.memory_space<vmem>>, vector<16xf32>,
      tpu.vector_store %arg7[%swap3A_283, %swap3A_284], %gather3A_279 {strides = array<i32>} : memref<32x1024xf32, #tpu.memory_space<vmem>>, vector<16xf32>,
      %broadcast_in_dim3A_286 = arith.constant 27 : i32
      %broadcast_in_dim3A_287 = vector.broadcast %broadcast_in_dim3A_286 : i32 to vector<16xi32>
      %gather3A_288 = tpu.vector_load_idx %arg5[%broadcast_in_dim3A_287, %get3A_45] : memref<32x1024xf32, #tpu.memory_space<vmem>>[vector<16xi32>, vector<16xi32>], vector<16xf32>,
      %mul3A_289 = arith.constant 16 : i32
      %mul3A_290 = arith.muli %scan3A_42, %mul3A_289 : i32
      %swap3A_291 = arith.constant 27 : i32
      %swap3A_292 = arith.index_cast %swap3A_291 : i32 to index
      %swap3A_293 = arith.index_cast %mul3A_290 : i32 to index
      %swap3A_294 = tpu.vector_load %arg7[%swap3A_292, %swap3A_293] {strides = array<i32>} : memref<32x1024xf32, #tpu.memory_space<vmem>>, vector<16xf32>,
      tpu.vector_store %arg7[%swap3A_292, %swap3A_293], %gather3A_288 {strides = array<i32>} : memref<32x1024xf32, #tpu.memory_space<vmem>>, vector<16xf32>,
      %broadcast_in_dim3A_295 = arith.constant 28 : i32
      %broadcast_in_dim3A_296 = vector.broadcast %broadcast_in_dim3A_295 : i32 to vector<16xi32>
      %gather3A_297 = tpu.vector_load_idx %arg5[%broadcast_in_dim3A_296, %get3A_45] : memref<32x1024xf32, #tpu.memory_space<vmem>>[vector<16xi32>, vector<16xi32>], vector<16xf32>,
      %mul3A_298 = arith.constant 16 : i32
      %mul3A_299 = arith.muli %scan3A_42, %mul3A_298 : i32
      %swap3A_300 = arith.constant 28 : i32
      %swap3A_301 = arith.index_cast %swap3A_300 : i32 to index
      %swap3A_302 = arith.index_cast %mul3A_299 : i32 to index
      %swap3A_303 = tpu.vector_load %arg7[%swap3A_301, %swap3A_302] {strides = array<i32>} : memref<32x1024xf32, #tpu.memory_space<vmem>>, vector<16xf32>,
      tpu.vector_store %arg7[%swap3A_301, %swap3A_302], %gather3A_297 {strides = array<i32>} : memref<32x1024xf32, #tpu.memory_space<vmem>>, vector<16xf32>,
      %broadcast_in_dim3A_304 = arith.constant 29 : i32
      %broadcast_in_dim3A_305 = vector.broadcast %broadcast_in_dim3A_304 : i32 to vector<16xi32>
      %gather3A_306 = tpu.vector_load_idx %arg5[%broadcast_in_dim3A_305, %get3A_45] : memref<32x1024xf32, #tpu.memory_space<vmem>>[vector<16xi32>, vector<16xi32>], vector<16xf32>,
      %mul3A_307 = arith.constant 16 : i32
      %mul3A_308 = arith.muli %scan3A_42, %mul3A_307 : i32
      %swap3A_309 = arith.constant 29 : i32
      %swap3A_310 = arith.index_cast %swap3A_309 : i32 to index
      %swap3A_311 = arith.index_cast %mul3A_308 : i32 to index
      %swap3A_312 = tpu.vector_load %arg7[%swap3A_310, %swap3A_311] {strides = array<i32>} : memref<32x1024xf32, #tpu.memory_space<vmem>>, vector<16xf32>,
      tpu.vector_store %arg7[%swap3A_310, %swap3A_311], %gather3A_306 {strides = array<i32>} : memref<32x1024xf32, #tpu.memory_space<vmem>>, vector<16xf32>,
      %broadcast_in_dim3A_313 = arith.constant 30 : i32
      %broadcast_in_dim3A_314 = vector.broadcast %broadcast_in_dim3A_313 : i32 to vector<16xi32>
      %gather3A_315 = tpu.vector_load_idx %arg5[%broadcast_in_dim3A_314, %get3A_45] : memref<32x1024xf32, #tpu.memory_space<vmem>>[vector<16xi32>, vector<16xi32>], vector<16xf32>,
      %mul3A_316 = arith.constant 16 : i32
      %mul3A_317 = arith.muli %scan3A_42, %mul3A_316 : i32
      %swap3A_318 = arith.constant 30 : i32
      %swap3A_319 = arith.index_cast %swap3A_318 : i32 to index
      %swap3A_320 = arith.index_cast %mul3A_317 : i32 to index
      %swap3A_321 = tpu.vector_load %arg7[%swap3A_319, %swap3A_320] {strides = array<i32>} : memref<32x1024xf32, #tpu.memory_space<vmem>>, vector<16xf32>,
      tpu.vector_store %arg7[%swap3A_319, %swap3A_320], %gather3A_315 {strides = array<i32>} : memref<32x1024xf32, #tpu.memory_space<vmem>>, vector<16xf32>,
      %broadcast_in_dim3A_322 = arith.constant 31 : i32
      %broadcast_in_dim3A_323 = vector.broadcast %broadcast_in_dim3A_322 : i32 to vector<16xi32>
      %gather3A_324 = tpu.vector_load_idx %arg5[%broadcast_in_dim3A_323, %get3A_45] : memref<32x1024xf32, #tpu.memory_space<vmem>>[vector<16xi32>, vector<16xi32>], vector<16xf32>,
      %mul3A_325 = arith.constant 16 : i32
      %mul3A_326 = arith.muli %scan3A_42, %mul3A_325 : i32
      %swap3A_327 = arith.constant 31 : i32
      %swap3A_328 = arith.index_cast %swap3A_327 : i32 to index
      %swap3A_329 = arith.index_cast %mul3A_326 : i32 to index
      %swap3A_330 = tpu.vector_load %arg7[%swap3A_328, %swap3A_329] {strides = array<i32>} : memref<32x1024xf32, #tpu.memory_space<vmem>>, vector<16xf32>,
      tpu.vector_store %arg7[%swap3A_328, %swap3A_329], %gather3A_324 {strides = array<i32>} : memref<32x1024xf32, #tpu.memory_space<vmem>>, vector<16xf32>,
    }
    %scan3A_41 = arith.constant 64 : i32
    "tpu.region"() ({
      %run_scoped3A = tpu.sem_alloc : memref<!tpu.dma_semaphore, #tpu.memory_space<semaphore_mem>>
      %dma_start3A = arith.constant 0 : i32
      %dma_start3A_42 = arith.constant 0 : i32
      %dma_start3A_43 = tpu.memref_slice %arg4[%select_n3A, %dma_start3A, %dma_start3A_42] : memref<32x32x1024xf32, #tpu.memory_space<hbm>> -> memref<1x32x1024xf32, #tpu.memory_space<hbm>>
      %dma_start3A_44 = tpu.memref_squeeze %dma_start3A_43 : memref<1x32x1024xf32, #tpu.memory_space<hbm>> -> memref<32x1024xf32, #tpu.memory_space<hbm>>
      %dma_start3A_45 = arith.constant 0 : i32
      %dma_start3A_46 = tpu.memref_slice %dma_start3A_44[%dma_start3A_45, %mul3A_34] : memref<32x1024xf32, #tpu.memory_space<hbm>> -> memref<32x1024xf32, #tpu.memory_space<hbm>>
      %dma_start3A_47 = arith.constant 0 : i32
      %dma_start3A_48 = arith.constant 0 : i32
      %dma_start3A_49 = tpu.memref_slice %arg4[%select_n3A, %dma_start3A_47, %dma_start3A_48] : memref<32x32x1024xf32, #tpu.memory_space<hbm>> -> memref<1x32x1024xf32, #tpu.memory_space<hbm>>
      %dma_start3A_50 = tpu.memref_squeeze %dma_start3A_49 : memref<1x32x1024xf32, #tpu.memory_space<hbm>> -> memref<32x1024xf32, #tpu.memory_space<hbm>>
      %dma_start3A_51 = arith.constant 0 : i32
      %dma_start3A_52 = tpu.memref_slice %dma_start3A_50[%dma_start3A_51, %mul3A_34] : memref<32x1024xf32, #tpu.memory_space<hbm>> -> memref<32x1024xf32, #tpu.memory_space<hbm>>
      tpu.enqueue_dma source(%arg7 : memref<32x1024xf32, #tpu.memory_space<vmem>>) target(%dma_start3A_52 : memref<32x1024xf32, #tpu.memory_space<hbm>>) target_semaphore(%run_scoped3A : memref<!tpu.dma_semaphore, #tpu.memory_space<semaphore_mem>>)
      %dma_wait3A = arith.constant 0 : i32
      %dma_wait3A_53 = arith.constant 0 : i32
      %dma_wait3A_54 = tpu.memref_slice %arg4[%select_n3A, %dma_wait3A, %dma_wait3A_53] : memref<32x32x1024xf32, #tpu.memory_space<hbm>> -> memref<1x32x1024xf32, #tpu.memory_space<hbm>>
      %dma_wait3A_55 = tpu.memref_squeeze %dma_wait3A_54 : memref<1x32x1024xf32, #tpu.memory_space<hbm>> -> memref<32x1024xf32, #tpu.memory_space<hbm>>
      %dma_wait3A_56 = arith.constant 0 : i32
      %dma_wait3A_57 = tpu.memref_slice %dma_wait3A_55[%dma_wait3A_56, %mul3A_34] : memref<32x1024xf32, #tpu.memory_space<hbm>> -> memref<32x1024xf32, #tpu.memory_space<hbm>>
      %dma_wait3A_58 = arith.constant 0 : i32
      %dma_wait3A_59 = arith.constant 0 : i32
      %dma_wait3A_60 = tpu.memref_slice %arg4[%select_n3A, %dma_wait3A_58, %dma_wait3A_59] : memref<32x32x1024xf32, #tpu.memory_space<hbm>> -> memref<1x32x1024xf32, #tpu.memory_space<hbm>>
      %dma_wait3A_61 = tpu.memref_squeeze %dma_wait3A_60 : memref<1x32x1024xf32, #tpu.memory_space<hbm>> -> memref<32x1024xf32, #tpu.memory_space<hbm>>
      %dma_wait3A_62 = arith.constant 0 : i32
      %dma_wait3A_63 = tpu.memref_slice %dma_wait3A_61[%dma_wait3A_62, %mul3A_34] : memref<32x1024xf32, #tpu.memory_space<hbm>> -> memref<32x1024xf32, #tpu.memory_space<hbm>>
      tpu.wait_dma2 semaphore(%run_scoped3A : memref<!tpu.dma_semaphore, #tpu.memory_space<semaphore_mem>>) src(%arg7 : memref<32x1024xf32, #tpu.memory_space<vmem>>) dst(%dma_wait3A_63 : memref<32x1024xf32, #tpu.memory_space<hbm>>)
      tpu.yield
    }) : () -> ()
    return
  }
}

#map = affine_map<(d0, d1) -> (0, 0)>
#map1 = affine_map<(d0, d1) -> (0, 0, 0)>
module attributes {stable_mosaic.version = 14 : i64} {
  func.func @lookup_kernel(%arg0: i32, %arg1: i32, %arg2: memref<32x1024xf32, #tpu.memory_space<hbm>>, %arg3: memref<50x1024xi32, #tpu.memory_space<hbm>>, %arg4: memref<18x32x1024xf32, #tpu.memory_space<hbm>>, %arg5: memref<32x1024xf32, #tpu.memory_space<vmem>>, %arg6: memref<1024xi32, #tpu.memory_space<vmem>>, %arg7: memref<32x1024xf32, #tpu.memory_space<vmem>>) attributes {dimension_semantics = [#tpu.dimension_semantics<core_parallel>, #tpu.dimension_semantics<subcore_parallel>], iteration_bounds = array<i64: 2, 16>, scalar_prefetch = 0 : i64, scratch_operands = 3 : i64, tpu.core_type = #tpu.core_type<sc_vector_subcore>, window_params = [{transform_indices = #map}, {transform_indices = #map}, {transform_indices = #map1}]} {
    %mul3A = arith.constant 2 : i32
    %mul3A_0 = arith.muli %arg1, %mul3A : i32
    %add3A = arith.addi %mul3A_0, %arg0 : i32
    "tpu.region"() ({
      %run_scoped3A = tpu.sem_alloc : memref<!tpu.dma_semaphore, #tpu.memory_space<semaphore_mem>>
      tpu.enqueue_dma source(%arg2 : memref<32x1024xf32, #tpu.memory_space<hbm>>) target(%arg5 : memref<32x1024xf32, #tpu.memory_space<vmem>>) target_semaphore(%run_scoped3A : memref<!tpu.dma_semaphore, #tpu.memory_space<semaphore_mem>>)
      tpu.wait_dma2 semaphore(%run_scoped3A : memref<!tpu.dma_semaphore, #tpu.memory_space<semaphore_mem>>) src(%arg2 : memref<32x1024xf32, #tpu.memory_space<hbm>>) dst(%arg5 : memref<32x1024xf32, #tpu.memory_space<vmem>>)
      tpu.yield
    }) : () -> ()
    %lt3A = arith.constant 18 : i32
    %lt3A_1 = arith.cmpi slt, %add3A, %lt3A : i32
    %convert_element_type3A = arith.extui %lt3A_1 : i1 to i32
    %cond3A = arith.constant 0 : i32
    %cond3A_2 = arith.cmpi ne, %convert_element_type3A, %cond3A : i32
    scf.if %cond3A_2 {
      %add3A_3 = arith.constant 0 : i32
      %add3A_4 = arith.addi %add3A_3, %add3A : i32
      %jit3A = arith.constant 1 : i32
      %div3A = arith.divsi %add3A_4, %jit3A : i32
      %sign3A = arith.constant 0 : i32
      %sign3A_5 = arith.cmpi sgt, %add3A_4, %sign3A : i32
      %sign3A_6 = arith.extui %sign3A_5 : i1 to i32
      %sign3A_7 = arith.constant 0 : i32
      %sign3A_8 = arith.cmpi slt, %add3A_4, %sign3A_7 : i32
      %sign3A_9 = arith.extui %sign3A_8 : i1 to i32
      %sign3A_10 = arith.subi %sign3A_6, %sign3A_9 : i32
      %sign3A_11 = arith.constant 0 : i32
      %sign3A_12 = arith.cmpi sgt, %jit3A, %sign3A_11 : i32
      %sign3A_13 = arith.extui %sign3A_12 : i1 to i32
      %sign3A_14 = arith.constant 0 : i32
      %sign3A_15 = arith.cmpi slt, %jit3A, %sign3A_14 : i32
      %sign3A_16 = arith.extui %sign3A_15 : i1 to i32
      %sign3A_17 = arith.subi %sign3A_13, %sign3A_16 : i32
      %ne3A = arith.cmpi ne, %sign3A_10, %sign3A_17 : i32
      %rem3A = arith.remsi %add3A_4, %jit3A : i32
      %ne3A_18 = arith.constant 0 : i32
      %ne3A_19 = arith.cmpi ne, %rem3A, %ne3A_18 : i32
      %and3A = arith.andi %ne3A, %ne3A_19 : i1
      %sub3A = arith.constant 1 : i32
      %sub3A_20 = arith.subi %div3A, %sub3A : i32
      %select_n3A = arith.select %and3A, %sub3A_20, %div3A : i32
      %jit3A_21 = arith.constant 1 : i32
      %eq3A = arith.constant 0 : i32
      %eq3A_22 = arith.cmpi eq, %jit3A_21, %eq3A : i32
      %jit3A_23 = arith.constant 1 : i32
      %select_n3A_24 = arith.select %eq3A_22, %jit3A_23, %jit3A_21 : i32
      %rem3A_25 = arith.remsi %add3A_4, %select_n3A_24 : i32
      %ne3A_26 = arith.constant 0 : i32
      %ne3A_27 = arith.cmpi ne, %rem3A_25, %ne3A_26 : i32
      %lt3A_28 = arith.constant 0 : i32
      %lt3A_29 = arith.cmpi slt, %rem3A_25, %lt3A_28 : i32
      %lt3A_30 = arith.constant 0 : i32
      %lt3A_31 = arith.cmpi slt, %select_n3A_24, %lt3A_30 : i32
      %ne3A_32 = arith.xori %lt3A_29, %lt3A_31 : i1
      %and3A_33 = arith.andi %ne3A_32, %ne3A_27 : i1
      %add3A_34 = arith.addi %rem3A_25, %select_n3A_24 : i32
      %select_n3A_35 = arith.select %and3A_33, %add3A_34, %rem3A_25 : i32
      %mul3A_36 = arith.constant 1024 : i32
      %mul3A_37 = arith.muli %select_n3A_35, %mul3A_36 : i32
      %add3A_38 = arith.constant 32 : i32
      %add3A_39 = arith.addi %add3A_38, %select_n3A : i32
      "tpu.region"() ({
        %run_scoped3A = tpu.sem_alloc : memref<!tpu.dma_semaphore, #tpu.memory_space<semaphore_mem>>
        %dma_start3A = tpu.memref_slice %arg3[%add3A_39, %mul3A_37] : memref<50x1024xi32, #tpu.memory_space<hbm>> -> memref<1x1024xi32, #tpu.memory_space<hbm>>
        %dma_start3A_45 = tpu.memref_squeeze %dma_start3A : memref<1x1024xi32, #tpu.memory_space<hbm>> -> memref<1024xi32, #tpu.memory_space<hbm>>
        %dma_start3A_46 = tpu.memref_slice %arg3[%add3A_39, %mul3A_37] : memref<50x1024xi32, #tpu.memory_space<hbm>> -> memref<1x1024xi32, #tpu.memory_space<hbm>>
        %dma_start3A_47 = tpu.memref_squeeze %dma_start3A_46 : memref<1x1024xi32, #tpu.memory_space<hbm>> -> memref<1024xi32, #tpu.memory_space<hbm>>
        tpu.enqueue_dma source(%dma_start3A_47 : memref<1024xi32, #tpu.memory_space<hbm>>) target(%arg6 : memref<1024xi32, #tpu.memory_space<vmem>>) target_semaphore(%run_scoped3A : memref<!tpu.dma_semaphore, #tpu.memory_space<semaphore_mem>>)
        %dma_wait3A = tpu.memref_slice %arg3[%add3A_39, %mul3A_37] : memref<50x1024xi32, #tpu.memory_space<hbm>> -> memref<1x1024xi32, #tpu.memory_space<hbm>>
        %dma_wait3A_48 = tpu.memref_squeeze %dma_wait3A : memref<1x1024xi32, #tpu.memory_space<hbm>> -> memref<1024xi32, #tpu.memory_space<hbm>>
        %dma_wait3A_49 = tpu.memref_slice %arg3[%add3A_39, %mul3A_37] : memref<50x1024xi32, #tpu.memory_space<hbm>> -> memref<1x1024xi32, #tpu.memory_space<hbm>>
        %dma_wait3A_50 = tpu.memref_squeeze %dma_wait3A_49 : memref<1x1024xi32, #tpu.memory_space<hbm>> -> memref<1024xi32, #tpu.memory_space<hbm>>
        tpu.wait_dma2 semaphore(%run_scoped3A : memref<!tpu.dma_semaphore, #tpu.memory_space<semaphore_mem>>) src(%dma_wait3A_50 : memref<1024xi32, #tpu.memory_space<hbm>>) dst(%arg6 : memref<1024xi32, #tpu.memory_space<vmem>>)
        tpu.yield
      }) : () -> ()
      %scan3A = arith.constant 0 : i32
      %scan3A_40 = arith.constant 0 : i32
      %scan3A_41 = arith.constant 64 : i32
      %scan3A_42 = arith.addi %scan3A_40, %scan3A_41 : i32
      %scan3A_43 = arith.constant 1 : i32
      scf.for %scan3A_45 = %scan3A_40 to %scan3A_42 step %scan3A_43  : i32 {
        %mul3A_46 = arith.constant 16 : i32
        %mul3A_47 = arith.muli %scan3A_45, %mul3A_46 : i32
        %get3A = arith.index_cast %mul3A_47 : i32 to index
        %get3A_48 = tpu.vector_load %arg6[%get3A] {strides = array<i32>} : memref<1024xi32, #tpu.memory_space<vmem>>, vector<16xi32>,
        %broadcast_in_dim3A = arith.constant 0 : i32
        %broadcast_in_dim3A_49 = vector.broadcast %broadcast_in_dim3A : i32 to vector<16xi32>
        %gather3A = tpu.vector_load_idx %arg5[%broadcast_in_dim3A_49, %get3A_48] : memref<32x1024xf32, #tpu.memory_space<vmem>>[vector<16xi32>, vector<16xi32>], vector<16xf32>,
        %mul3A_50 = arith.constant 16 : i32
        %mul3A_51 = arith.muli %scan3A_45, %mul3A_50 : i32
        %swap3A = arith.constant 0 : i32
        %swap3A_52 = arith.index_cast %swap3A : i32 to index
        %swap3A_53 = arith.index_cast %mul3A_51 : i32 to index
        %swap3A_54 = tpu.vector_load %arg7[%swap3A_52, %swap3A_53] {strides = array<i32>} : memref<32x1024xf32, #tpu.memory_space<vmem>>, vector<16xf32>,
        tpu.vector_store %arg7[%swap3A_52, %swap3A_53], %gather3A {strides = array<i32>} : memref<32x1024xf32, #tpu.memory_space<vmem>>, vector<16xf32>,
        %broadcast_in_dim3A_55 = arith.constant 1 : i32
        %broadcast_in_dim3A_56 = vector.broadcast %broadcast_in_dim3A_55 : i32 to vector<16xi32>
        %gather3A_57 = tpu.vector_load_idx %arg5[%broadcast_in_dim3A_56, %get3A_48] : memref<32x1024xf32, #tpu.memory_space<vmem>>[vector<16xi32>, vector<16xi32>], vector<16xf32>,
        %mul3A_58 = arith.constant 16 : i32
        %mul3A_59 = arith.muli %scan3A_45, %mul3A_58 : i32
        %swap3A_60 = arith.constant 1 : i32
        %swap3A_61 = arith.index_cast %swap3A_60 : i32 to index
        %swap3A_62 = arith.index_cast %mul3A_59 : i32 to index
        %swap3A_63 = tpu.vector_load %arg7[%swap3A_61, %swap3A_62] {strides = array<i32>} : memref<32x1024xf32, #tpu.memory_space<vmem>>, vector<16xf32>,
        tpu.vector_store %arg7[%swap3A_61, %swap3A_62], %gather3A_57 {strides = array<i32>} : memref<32x1024xf32, #tpu.memory_space<vmem>>, vector<16xf32>,
        %broadcast_in_dim3A_64 = arith.constant 2 : i32
        %broadcast_in_dim3A_65 = vector.broadcast %broadcast_in_dim3A_64 : i32 to vector<16xi32>
        %gather3A_66 = tpu.vector_load_idx %arg5[%broadcast_in_dim3A_65, %get3A_48] : memref<32x1024xf32, #tpu.memory_space<vmem>>[vector<16xi32>, vector<16xi32>], vector<16xf32>,
        %mul3A_67 = arith.constant 16 : i32
        %mul3A_68 = arith.muli %scan3A_45, %mul3A_67 : i32
        %swap3A_69 = arith.constant 2 : i32
        %swap3A_70 = arith.index_cast %swap3A_69 : i32 to index
        %swap3A_71 = arith.index_cast %mul3A_68 : i32 to index
        %swap3A_72 = tpu.vector_load %arg7[%swap3A_70, %swap3A_71] {strides = array<i32>} : memref<32x1024xf32, #tpu.memory_space<vmem>>, vector<16xf32>,
        tpu.vector_store %arg7[%swap3A_70, %swap3A_71], %gather3A_66 {strides = array<i32>} : memref<32x1024xf32, #tpu.memory_space<vmem>>, vector<16xf32>,
        %broadcast_in_dim3A_73 = arith.constant 3 : i32
        %broadcast_in_dim3A_74 = vector.broadcast %broadcast_in_dim3A_73 : i32 to vector<16xi32>
        %gather3A_75 = tpu.vector_load_idx %arg5[%broadcast_in_dim3A_74, %get3A_48] : memref<32x1024xf32, #tpu.memory_space<vmem>>[vector<16xi32>, vector<16xi32>], vector<16xf32>,
        %mul3A_76 = arith.constant 16 : i32
        %mul3A_77 = arith.muli %scan3A_45, %mul3A_76 : i32
        %swap3A_78 = arith.constant 3 : i32
        %swap3A_79 = arith.index_cast %swap3A_78 : i32 to index
        %swap3A_80 = arith.index_cast %mul3A_77 : i32 to index
        %swap3A_81 = tpu.vector_load %arg7[%swap3A_79, %swap3A_80] {strides = array<i32>} : memref<32x1024xf32, #tpu.memory_space<vmem>>, vector<16xf32>,
        tpu.vector_store %arg7[%swap3A_79, %swap3A_80], %gather3A_75 {strides = array<i32>} : memref<32x1024xf32, #tpu.memory_space<vmem>>, vector<16xf32>,
        %broadcast_in_dim3A_82 = arith.constant 4 : i32
        %broadcast_in_dim3A_83 = vector.broadcast %broadcast_in_dim3A_82 : i32 to vector<16xi32>
        %gather3A_84 = tpu.vector_load_idx %arg5[%broadcast_in_dim3A_83, %get3A_48] : memref<32x1024xf32, #tpu.memory_space<vmem>>[vector<16xi32>, vector<16xi32>], vector<16xf32>,
        %mul3A_85 = arith.constant 16 : i32
        %mul3A_86 = arith.muli %scan3A_45, %mul3A_85 : i32
        %swap3A_87 = arith.constant 4 : i32
        %swap3A_88 = arith.index_cast %swap3A_87 : i32 to index
        %swap3A_89 = arith.index_cast %mul3A_86 : i32 to index
        %swap3A_90 = tpu.vector_load %arg7[%swap3A_88, %swap3A_89] {strides = array<i32>} : memref<32x1024xf32, #tpu.memory_space<vmem>>, vector<16xf32>,
        tpu.vector_store %arg7[%swap3A_88, %swap3A_89], %gather3A_84 {strides = array<i32>} : memref<32x1024xf32, #tpu.memory_space<vmem>>, vector<16xf32>,
        %broadcast_in_dim3A_91 = arith.constant 5 : i32
        %broadcast_in_dim3A_92 = vector.broadcast %broadcast_in_dim3A_91 : i32 to vector<16xi32>
        %gather3A_93 = tpu.vector_load_idx %arg5[%broadcast_in_dim3A_92, %get3A_48] : memref<32x1024xf32, #tpu.memory_space<vmem>>[vector<16xi32>, vector<16xi32>], vector<16xf32>,
        %mul3A_94 = arith.constant 16 : i32
        %mul3A_95 = arith.muli %scan3A_45, %mul3A_94 : i32
        %swap3A_96 = arith.constant 5 : i32
        %swap3A_97 = arith.index_cast %swap3A_96 : i32 to index
        %swap3A_98 = arith.index_cast %mul3A_95 : i32 to index
        %swap3A_99 = tpu.vector_load %arg7[%swap3A_97, %swap3A_98] {strides = array<i32>} : memref<32x1024xf32, #tpu.memory_space<vmem>>, vector<16xf32>,
        tpu.vector_store %arg7[%swap3A_97, %swap3A_98], %gather3A_93 {strides = array<i32>} : memref<32x1024xf32, #tpu.memory_space<vmem>>, vector<16xf32>,
        %broadcast_in_dim3A_100 = arith.constant 6 : i32
        %broadcast_in_dim3A_101 = vector.broadcast %broadcast_in_dim3A_100 : i32 to vector<16xi32>
        %gather3A_102 = tpu.vector_load_idx %arg5[%broadcast_in_dim3A_101, %get3A_48] : memref<32x1024xf32, #tpu.memory_space<vmem>>[vector<16xi32>, vector<16xi32>], vector<16xf32>,
        %mul3A_103 = arith.constant 16 : i32
        %mul3A_104 = arith.muli %scan3A_45, %mul3A_103 : i32
        %swap3A_105 = arith.constant 6 : i32
        %swap3A_106 = arith.index_cast %swap3A_105 : i32 to index
        %swap3A_107 = arith.index_cast %mul3A_104 : i32 to index
        %swap3A_108 = tpu.vector_load %arg7[%swap3A_106, %swap3A_107] {strides = array<i32>} : memref<32x1024xf32, #tpu.memory_space<vmem>>, vector<16xf32>,
        tpu.vector_store %arg7[%swap3A_106, %swap3A_107], %gather3A_102 {strides = array<i32>} : memref<32x1024xf32, #tpu.memory_space<vmem>>, vector<16xf32>,
        %broadcast_in_dim3A_109 = arith.constant 7 : i32
        %broadcast_in_dim3A_110 = vector.broadcast %broadcast_in_dim3A_109 : i32 to vector<16xi32>
        %gather3A_111 = tpu.vector_load_idx %arg5[%broadcast_in_dim3A_110, %get3A_48] : memref<32x1024xf32, #tpu.memory_space<vmem>>[vector<16xi32>, vector<16xi32>], vector<16xf32>,
        %mul3A_112 = arith.constant 16 : i32
        %mul3A_113 = arith.muli %scan3A_45, %mul3A_112 : i32
        %swap3A_114 = arith.constant 7 : i32
        %swap3A_115 = arith.index_cast %swap3A_114 : i32 to index
        %swap3A_116 = arith.index_cast %mul3A_113 : i32 to index
        %swap3A_117 = tpu.vector_load %arg7[%swap3A_115, %swap3A_116] {strides = array<i32>} : memref<32x1024xf32, #tpu.memory_space<vmem>>, vector<16xf32>,
        tpu.vector_store %arg7[%swap3A_115, %swap3A_116], %gather3A_111 {strides = array<i32>} : memref<32x1024xf32, #tpu.memory_space<vmem>>, vector<16xf32>,
        %broadcast_in_dim3A_118 = arith.constant 8 : i32
        %broadcast_in_dim3A_119 = vector.broadcast %broadcast_in_dim3A_118 : i32 to vector<16xi32>
        %gather3A_120 = tpu.vector_load_idx %arg5[%broadcast_in_dim3A_119, %get3A_48] : memref<32x1024xf32, #tpu.memory_space<vmem>>[vector<16xi32>, vector<16xi32>], vector<16xf32>,
        %mul3A_121 = arith.constant 16 : i32
        %mul3A_122 = arith.muli %scan3A_45, %mul3A_121 : i32
        %swap3A_123 = arith.constant 8 : i32
        %swap3A_124 = arith.index_cast %swap3A_123 : i32 to index
        %swap3A_125 = arith.index_cast %mul3A_122 : i32 to index
        %swap3A_126 = tpu.vector_load %arg7[%swap3A_124, %swap3A_125] {strides = array<i32>} : memref<32x1024xf32, #tpu.memory_space<vmem>>, vector<16xf32>,
        tpu.vector_store %arg7[%swap3A_124, %swap3A_125], %gather3A_120 {strides = array<i32>} : memref<32x1024xf32, #tpu.memory_space<vmem>>, vector<16xf32>,
        %broadcast_in_dim3A_127 = arith.constant 9 : i32
        %broadcast_in_dim3A_128 = vector.broadcast %broadcast_in_dim3A_127 : i32 to vector<16xi32>
        %gather3A_129 = tpu.vector_load_idx %arg5[%broadcast_in_dim3A_128, %get3A_48] : memref<32x1024xf32, #tpu.memory_space<vmem>>[vector<16xi32>, vector<16xi32>], vector<16xf32>,
        %mul3A_130 = arith.constant 16 : i32
        %mul3A_131 = arith.muli %scan3A_45, %mul3A_130 : i32
        %swap3A_132 = arith.constant 9 : i32
        %swap3A_133 = arith.index_cast %swap3A_132 : i32 to index
        %swap3A_134 = arith.index_cast %mul3A_131 : i32 to index
        %swap3A_135 = tpu.vector_load %arg7[%swap3A_133, %swap3A_134] {strides = array<i32>} : memref<32x1024xf32, #tpu.memory_space<vmem>>, vector<16xf32>,
        tpu.vector_store %arg7[%swap3A_133, %swap3A_134], %gather3A_129 {strides = array<i32>} : memref<32x1024xf32, #tpu.memory_space<vmem>>, vector<16xf32>,
        %broadcast_in_dim3A_136 = arith.constant 10 : i32
        %broadcast_in_dim3A_137 = vector.broadcast %broadcast_in_dim3A_136 : i32 to vector<16xi32>
        %gather3A_138 = tpu.vector_load_idx %arg5[%broadcast_in_dim3A_137, %get3A_48] : memref<32x1024xf32, #tpu.memory_space<vmem>>[vector<16xi32>, vector<16xi32>], vector<16xf32>,
        %mul3A_139 = arith.constant 16 : i32
        %mul3A_140 = arith.muli %scan3A_45, %mul3A_139 : i32
        %swap3A_141 = arith.constant 10 : i32
        %swap3A_142 = arith.index_cast %swap3A_141 : i32 to index
        %swap3A_143 = arith.index_cast %mul3A_140 : i32 to index
        %swap3A_144 = tpu.vector_load %arg7[%swap3A_142, %swap3A_143] {strides = array<i32>} : memref<32x1024xf32, #tpu.memory_space<vmem>>, vector<16xf32>,
        tpu.vector_store %arg7[%swap3A_142, %swap3A_143], %gather3A_138 {strides = array<i32>} : memref<32x1024xf32, #tpu.memory_space<vmem>>, vector<16xf32>,
        %broadcast_in_dim3A_145 = arith.constant 11 : i32
        %broadcast_in_dim3A_146 = vector.broadcast %broadcast_in_dim3A_145 : i32 to vector<16xi32>
        %gather3A_147 = tpu.vector_load_idx %arg5[%broadcast_in_dim3A_146, %get3A_48] : memref<32x1024xf32, #tpu.memory_space<vmem>>[vector<16xi32>, vector<16xi32>], vector<16xf32>,
        %mul3A_148 = arith.constant 16 : i32
        %mul3A_149 = arith.muli %scan3A_45, %mul3A_148 : i32
        %swap3A_150 = arith.constant 11 : i32
        %swap3A_151 = arith.index_cast %swap3A_150 : i32 to index
        %swap3A_152 = arith.index_cast %mul3A_149 : i32 to index
        %swap3A_153 = tpu.vector_load %arg7[%swap3A_151, %swap3A_152] {strides = array<i32>} : memref<32x1024xf32, #tpu.memory_space<vmem>>, vector<16xf32>,
        tpu.vector_store %arg7[%swap3A_151, %swap3A_152], %gather3A_147 {strides = array<i32>} : memref<32x1024xf32, #tpu.memory_space<vmem>>, vector<16xf32>,
        %broadcast_in_dim3A_154 = arith.constant 12 : i32
        %broadcast_in_dim3A_155 = vector.broadcast %broadcast_in_dim3A_154 : i32 to vector<16xi32>
        %gather3A_156 = tpu.vector_load_idx %arg5[%broadcast_in_dim3A_155, %get3A_48] : memref<32x1024xf32, #tpu.memory_space<vmem>>[vector<16xi32>, vector<16xi32>], vector<16xf32>,
        %mul3A_157 = arith.constant 16 : i32
        %mul3A_158 = arith.muli %scan3A_45, %mul3A_157 : i32
        %swap3A_159 = arith.constant 12 : i32
        %swap3A_160 = arith.index_cast %swap3A_159 : i32 to index
        %swap3A_161 = arith.index_cast %mul3A_158 : i32 to index
        %swap3A_162 = tpu.vector_load %arg7[%swap3A_160, %swap3A_161] {strides = array<i32>} : memref<32x1024xf32, #tpu.memory_space<vmem>>, vector<16xf32>,
        tpu.vector_store %arg7[%swap3A_160, %swap3A_161], %gather3A_156 {strides = array<i32>} : memref<32x1024xf32, #tpu.memory_space<vmem>>, vector<16xf32>,
        %broadcast_in_dim3A_163 = arith.constant 13 : i32
        %broadcast_in_dim3A_164 = vector.broadcast %broadcast_in_dim3A_163 : i32 to vector<16xi32>
        %gather3A_165 = tpu.vector_load_idx %arg5[%broadcast_in_dim3A_164, %get3A_48] : memref<32x1024xf32, #tpu.memory_space<vmem>>[vector<16xi32>, vector<16xi32>], vector<16xf32>,
        %mul3A_166 = arith.constant 16 : i32
        %mul3A_167 = arith.muli %scan3A_45, %mul3A_166 : i32
        %swap3A_168 = arith.constant 13 : i32
        %swap3A_169 = arith.index_cast %swap3A_168 : i32 to index
        %swap3A_170 = arith.index_cast %mul3A_167 : i32 to index
        %swap3A_171 = tpu.vector_load %arg7[%swap3A_169, %swap3A_170] {strides = array<i32>} : memref<32x1024xf32, #tpu.memory_space<vmem>>, vector<16xf32>,
        tpu.vector_store %arg7[%swap3A_169, %swap3A_170], %gather3A_165 {strides = array<i32>} : memref<32x1024xf32, #tpu.memory_space<vmem>>, vector<16xf32>,
        %broadcast_in_dim3A_172 = arith.constant 14 : i32
        %broadcast_in_dim3A_173 = vector.broadcast %broadcast_in_dim3A_172 : i32 to vector<16xi32>
        %gather3A_174 = tpu.vector_load_idx %arg5[%broadcast_in_dim3A_173, %get3A_48] : memref<32x1024xf32, #tpu.memory_space<vmem>>[vector<16xi32>, vector<16xi32>], vector<16xf32>,
        %mul3A_175 = arith.constant 16 : i32
        %mul3A_176 = arith.muli %scan3A_45, %mul3A_175 : i32
        %swap3A_177 = arith.constant 14 : i32
        %swap3A_178 = arith.index_cast %swap3A_177 : i32 to index
        %swap3A_179 = arith.index_cast %mul3A_176 : i32 to index
        %swap3A_180 = tpu.vector_load %arg7[%swap3A_178, %swap3A_179] {strides = array<i32>} : memref<32x1024xf32, #tpu.memory_space<vmem>>, vector<16xf32>,
        tpu.vector_store %arg7[%swap3A_178, %swap3A_179], %gather3A_174 {strides = array<i32>} : memref<32x1024xf32, #tpu.memory_space<vmem>>, vector<16xf32>,
        %broadcast_in_dim3A_181 = arith.constant 15 : i32
        %broadcast_in_dim3A_182 = vector.broadcast %broadcast_in_dim3A_181 : i32 to vector<16xi32>
        %gather3A_183 = tpu.vector_load_idx %arg5[%broadcast_in_dim3A_182, %get3A_48] : memref<32x1024xf32, #tpu.memory_space<vmem>>[vector<16xi32>, vector<16xi32>], vector<16xf32>,
        %mul3A_184 = arith.constant 16 : i32
        %mul3A_185 = arith.muli %scan3A_45, %mul3A_184 : i32
        %swap3A_186 = arith.constant 15 : i32
        %swap3A_187 = arith.index_cast %swap3A_186 : i32 to index
        %swap3A_188 = arith.index_cast %mul3A_185 : i32 to index
        %swap3A_189 = tpu.vector_load %arg7[%swap3A_187, %swap3A_188] {strides = array<i32>} : memref<32x1024xf32, #tpu.memory_space<vmem>>, vector<16xf32>,
        tpu.vector_store %arg7[%swap3A_187, %swap3A_188], %gather3A_183 {strides = array<i32>} : memref<32x1024xf32, #tpu.memory_space<vmem>>, vector<16xf32>,
        %broadcast_in_dim3A_190 = arith.constant 16 : i32
        %broadcast_in_dim3A_191 = vector.broadcast %broadcast_in_dim3A_190 : i32 to vector<16xi32>
        %gather3A_192 = tpu.vector_load_idx %arg5[%broadcast_in_dim3A_191, %get3A_48] : memref<32x1024xf32, #tpu.memory_space<vmem>>[vector<16xi32>, vector<16xi32>], vector<16xf32>,
        %mul3A_193 = arith.constant 16 : i32
        %mul3A_194 = arith.muli %scan3A_45, %mul3A_193 : i32
        %swap3A_195 = arith.constant 16 : i32
        %swap3A_196 = arith.index_cast %swap3A_195 : i32 to index
        %swap3A_197 = arith.index_cast %mul3A_194 : i32 to index
        %swap3A_198 = tpu.vector_load %arg7[%swap3A_196, %swap3A_197] {strides = array<i32>} : memref<32x1024xf32, #tpu.memory_space<vmem>>, vector<16xf32>,
        tpu.vector_store %arg7[%swap3A_196, %swap3A_197], %gather3A_192 {strides = array<i32>} : memref<32x1024xf32, #tpu.memory_space<vmem>>, vector<16xf32>,
        %broadcast_in_dim3A_199 = arith.constant 17 : i32
        %broadcast_in_dim3A_200 = vector.broadcast %broadcast_in_dim3A_199 : i32 to vector<16xi32>
        %gather3A_201 = tpu.vector_load_idx %arg5[%broadcast_in_dim3A_200, %get3A_48] : memref<32x1024xf32, #tpu.memory_space<vmem>>[vector<16xi32>, vector<16xi32>], vector<16xf32>,
        %mul3A_202 = arith.constant 16 : i32
        %mul3A_203 = arith.muli %scan3A_45, %mul3A_202 : i32
        %swap3A_204 = arith.constant 17 : i32
        %swap3A_205 = arith.index_cast %swap3A_204 : i32 to index
        %swap3A_206 = arith.index_cast %mul3A_203 : i32 to index
        %swap3A_207 = tpu.vector_load %arg7[%swap3A_205, %swap3A_206] {strides = array<i32>} : memref<32x1024xf32, #tpu.memory_space<vmem>>, vector<16xf32>,
        tpu.vector_store %arg7[%swap3A_205, %swap3A_206], %gather3A_201 {strides = array<i32>} : memref<32x1024xf32, #tpu.memory_space<vmem>>, vector<16xf32>,
        %broadcast_in_dim3A_208 = arith.constant 18 : i32
        %broadcast_in_dim3A_209 = vector.broadcast %broadcast_in_dim3A_208 : i32 to vector<16xi32>
        %gather3A_210 = tpu.vector_load_idx %arg5[%broadcast_in_dim3A_209, %get3A_48] : memref<32x1024xf32, #tpu.memory_space<vmem>>[vector<16xi32>, vector<16xi32>], vector<16xf32>,
        %mul3A_211 = arith.constant 16 : i32
        %mul3A_212 = arith.muli %scan3A_45, %mul3A_211 : i32
        %swap3A_213 = arith.constant 18 : i32
        %swap3A_214 = arith.index_cast %swap3A_213 : i32 to index
        %swap3A_215 = arith.index_cast %mul3A_212 : i32 to index
        %swap3A_216 = tpu.vector_load %arg7[%swap3A_214, %swap3A_215] {strides = array<i32>} : memref<32x1024xf32, #tpu.memory_space<vmem>>, vector<16xf32>,
        tpu.vector_store %arg7[%swap3A_214, %swap3A_215], %gather3A_210 {strides = array<i32>} : memref<32x1024xf32, #tpu.memory_space<vmem>>, vector<16xf32>,
        %broadcast_in_dim3A_217 = arith.constant 19 : i32
        %broadcast_in_dim3A_218 = vector.broadcast %broadcast_in_dim3A_217 : i32 to vector<16xi32>
        %gather3A_219 = tpu.vector_load_idx %arg5[%broadcast_in_dim3A_218, %get3A_48] : memref<32x1024xf32, #tpu.memory_space<vmem>>[vector<16xi32>, vector<16xi32>], vector<16xf32>,
        %mul3A_220 = arith.constant 16 : i32
        %mul3A_221 = arith.muli %scan3A_45, %mul3A_220 : i32
        %swap3A_222 = arith.constant 19 : i32
        %swap3A_223 = arith.index_cast %swap3A_222 : i32 to index
        %swap3A_224 = arith.index_cast %mul3A_221 : i32 to index
        %swap3A_225 = tpu.vector_load %arg7[%swap3A_223, %swap3A_224] {strides = array<i32>} : memref<32x1024xf32, #tpu.memory_space<vmem>>, vector<16xf32>,
        tpu.vector_store %arg7[%swap3A_223, %swap3A_224], %gather3A_219 {strides = array<i32>} : memref<32x1024xf32, #tpu.memory_space<vmem>>, vector<16xf32>,
        %broadcast_in_dim3A_226 = arith.constant 20 : i32
        %broadcast_in_dim3A_227 = vector.broadcast %broadcast_in_dim3A_226 : i32 to vector<16xi32>
        %gather3A_228 = tpu.vector_load_idx %arg5[%broadcast_in_dim3A_227, %get3A_48] : memref<32x1024xf32, #tpu.memory_space<vmem>>[vector<16xi32>, vector<16xi32>], vector<16xf32>,
        %mul3A_229 = arith.constant 16 : i32
        %mul3A_230 = arith.muli %scan3A_45, %mul3A_229 : i32
        %swap3A_231 = arith.constant 20 : i32
        %swap3A_232 = arith.index_cast %swap3A_231 : i32 to index
        %swap3A_233 = arith.index_cast %mul3A_230 : i32 to index
        %swap3A_234 = tpu.vector_load %arg7[%swap3A_232, %swap3A_233] {strides = array<i32>} : memref<32x1024xf32, #tpu.memory_space<vmem>>, vector<16xf32>,
        tpu.vector_store %arg7[%swap3A_232, %swap3A_233], %gather3A_228 {strides = array<i32>} : memref<32x1024xf32, #tpu.memory_space<vmem>>, vector<16xf32>,
        %broadcast_in_dim3A_235 = arith.constant 21 : i32
        %broadcast_in_dim3A_236 = vector.broadcast %broadcast_in_dim3A_235 : i32 to vector<16xi32>
        %gather3A_237 = tpu.vector_load_idx %arg5[%broadcast_in_dim3A_236, %get3A_48] : memref<32x1024xf32, #tpu.memory_space<vmem>>[vector<16xi32>, vector<16xi32>], vector<16xf32>,
        %mul3A_238 = arith.constant 16 : i32
        %mul3A_239 = arith.muli %scan3A_45, %mul3A_238 : i32
        %swap3A_240 = arith.constant 21 : i32
        %swap3A_241 = arith.index_cast %swap3A_240 : i32 to index
        %swap3A_242 = arith.index_cast %mul3A_239 : i32 to index
        %swap3A_243 = tpu.vector_load %arg7[%swap3A_241, %swap3A_242] {strides = array<i32>} : memref<32x1024xf32, #tpu.memory_space<vmem>>, vector<16xf32>,
        tpu.vector_store %arg7[%swap3A_241, %swap3A_242], %gather3A_237 {strides = array<i32>} : memref<32x1024xf32, #tpu.memory_space<vmem>>, vector<16xf32>,
        %broadcast_in_dim3A_244 = arith.constant 22 : i32
        %broadcast_in_dim3A_245 = vector.broadcast %broadcast_in_dim3A_244 : i32 to vector<16xi32>
        %gather3A_246 = tpu.vector_load_idx %arg5[%broadcast_in_dim3A_245, %get3A_48] : memref<32x1024xf32, #tpu.memory_space<vmem>>[vector<16xi32>, vector<16xi32>], vector<16xf32>,
        %mul3A_247 = arith.constant 16 : i32
        %mul3A_248 = arith.muli %scan3A_45, %mul3A_247 : i32
        %swap3A_249 = arith.constant 22 : i32
        %swap3A_250 = arith.index_cast %swap3A_249 : i32 to index
        %swap3A_251 = arith.index_cast %mul3A_248 : i32 to index
        %swap3A_252 = tpu.vector_load %arg7[%swap3A_250, %swap3A_251] {strides = array<i32>} : memref<32x1024xf32, #tpu.memory_space<vmem>>, vector<16xf32>,
        tpu.vector_store %arg7[%swap3A_250, %swap3A_251], %gather3A_246 {strides = array<i32>} : memref<32x1024xf32, #tpu.memory_space<vmem>>, vector<16xf32>,
        %broadcast_in_dim3A_253 = arith.constant 23 : i32
        %broadcast_in_dim3A_254 = vector.broadcast %broadcast_in_dim3A_253 : i32 to vector<16xi32>
        %gather3A_255 = tpu.vector_load_idx %arg5[%broadcast_in_dim3A_254, %get3A_48] : memref<32x1024xf32, #tpu.memory_space<vmem>>[vector<16xi32>, vector<16xi32>], vector<16xf32>,
        %mul3A_256 = arith.constant 16 : i32
        %mul3A_257 = arith.muli %scan3A_45, %mul3A_256 : i32
        %swap3A_258 = arith.constant 23 : i32
        %swap3A_259 = arith.index_cast %swap3A_258 : i32 to index
        %swap3A_260 = arith.index_cast %mul3A_257 : i32 to index
        %swap3A_261 = tpu.vector_load %arg7[%swap3A_259, %swap3A_260] {strides = array<i32>} : memref<32x1024xf32, #tpu.memory_space<vmem>>, vector<16xf32>,
        tpu.vector_store %arg7[%swap3A_259, %swap3A_260], %gather3A_255 {strides = array<i32>} : memref<32x1024xf32, #tpu.memory_space<vmem>>, vector<16xf32>,
        %broadcast_in_dim3A_262 = arith.constant 24 : i32
        %broadcast_in_dim3A_263 = vector.broadcast %broadcast_in_dim3A_262 : i32 to vector<16xi32>
        %gather3A_264 = tpu.vector_load_idx %arg5[%broadcast_in_dim3A_263, %get3A_48] : memref<32x1024xf32, #tpu.memory_space<vmem>>[vector<16xi32>, vector<16xi32>], vector<16xf32>,
        %mul3A_265 = arith.constant 16 : i32
        %mul3A_266 = arith.muli %scan3A_45, %mul3A_265 : i32
        %swap3A_267 = arith.constant 24 : i32
        %swap3A_268 = arith.index_cast %swap3A_267 : i32 to index
        %swap3A_269 = arith.index_cast %mul3A_266 : i32 to index
        %swap3A_270 = tpu.vector_load %arg7[%swap3A_268, %swap3A_269] {strides = array<i32>} : memref<32x1024xf32, #tpu.memory_space<vmem>>, vector<16xf32>,
        tpu.vector_store %arg7[%swap3A_268, %swap3A_269], %gather3A_264 {strides = array<i32>} : memref<32x1024xf32, #tpu.memory_space<vmem>>, vector<16xf32>,
        %broadcast_in_dim3A_271 = arith.constant 25 : i32
        %broadcast_in_dim3A_272 = vector.broadcast %broadcast_in_dim3A_271 : i32 to vector<16xi32>
        %gather3A_273 = tpu.vector_load_idx %arg5[%broadcast_in_dim3A_272, %get3A_48] : memref<32x1024xf32, #tpu.memory_space<vmem>>[vector<16xi32>, vector<16xi32>], vector<16xf32>,
        %mul3A_274 = arith.constant 16 : i32
        %mul3A_275 = arith.muli %scan3A_45, %mul3A_274 : i32
        %swap3A_276 = arith.constant 25 : i32
        %swap3A_277 = arith.index_cast %swap3A_276 : i32 to index
        %swap3A_278 = arith.index_cast %mul3A_275 : i32 to index
        %swap3A_279 = tpu.vector_load %arg7[%swap3A_277, %swap3A_278] {strides = array<i32>} : memref<32x1024xf32, #tpu.memory_space<vmem>>, vector<16xf32>,
        tpu.vector_store %arg7[%swap3A_277, %swap3A_278], %gather3A_273 {strides = array<i32>} : memref<32x1024xf32, #tpu.memory_space<vmem>>, vector<16xf32>,
        %broadcast_in_dim3A_280 = arith.constant 26 : i32
        %broadcast_in_dim3A_281 = vector.broadcast %broadcast_in_dim3A_280 : i32 to vector<16xi32>
        %gather3A_282 = tpu.vector_load_idx %arg5[%broadcast_in_dim3A_281, %get3A_48] : memref<32x1024xf32, #tpu.memory_space<vmem>>[vector<16xi32>, vector<16xi32>], vector<16xf32>,
        %mul3A_283 = arith.constant 16 : i32
        %mul3A_284 = arith.muli %scan3A_45, %mul3A_283 : i32
        %swap3A_285 = arith.constant 26 : i32
        %swap3A_286 = arith.index_cast %swap3A_285 : i32 to index
        %swap3A_287 = arith.index_cast %mul3A_284 : i32 to index
        %swap3A_288 = tpu.vector_load %arg7[%swap3A_286, %swap3A_287] {strides = array<i32>} : memref<32x1024xf32, #tpu.memory_space<vmem>>, vector<16xf32>,
        tpu.vector_store %arg7[%swap3A_286, %swap3A_287], %gather3A_282 {strides = array<i32>} : memref<32x1024xf32, #tpu.memory_space<vmem>>, vector<16xf32>,
        %broadcast_in_dim3A_289 = arith.constant 27 : i32
        %broadcast_in_dim3A_290 = vector.broadcast %broadcast_in_dim3A_289 : i32 to vector<16xi32>
        %gather3A_291 = tpu.vector_load_idx %arg5[%broadcast_in_dim3A_290, %get3A_48] : memref<32x1024xf32, #tpu.memory_space<vmem>>[vector<16xi32>, vector<16xi32>], vector<16xf32>,
        %mul3A_292 = arith.constant 16 : i32
        %mul3A_293 = arith.muli %scan3A_45, %mul3A_292 : i32
        %swap3A_294 = arith.constant 27 : i32
        %swap3A_295 = arith.index_cast %swap3A_294 : i32 to index
        %swap3A_296 = arith.index_cast %mul3A_293 : i32 to index
        %swap3A_297 = tpu.vector_load %arg7[%swap3A_295, %swap3A_296] {strides = array<i32>} : memref<32x1024xf32, #tpu.memory_space<vmem>>, vector<16xf32>,
        tpu.vector_store %arg7[%swap3A_295, %swap3A_296], %gather3A_291 {strides = array<i32>} : memref<32x1024xf32, #tpu.memory_space<vmem>>, vector<16xf32>,
        %broadcast_in_dim3A_298 = arith.constant 28 : i32
        %broadcast_in_dim3A_299 = vector.broadcast %broadcast_in_dim3A_298 : i32 to vector<16xi32>
        %gather3A_300 = tpu.vector_load_idx %arg5[%broadcast_in_dim3A_299, %get3A_48] : memref<32x1024xf32, #tpu.memory_space<vmem>>[vector<16xi32>, vector<16xi32>], vector<16xf32>,
        %mul3A_301 = arith.constant 16 : i32
        %mul3A_302 = arith.muli %scan3A_45, %mul3A_301 : i32
        %swap3A_303 = arith.constant 28 : i32
        %swap3A_304 = arith.index_cast %swap3A_303 : i32 to index
        %swap3A_305 = arith.index_cast %mul3A_302 : i32 to index
        %swap3A_306 = tpu.vector_load %arg7[%swap3A_304, %swap3A_305] {strides = array<i32>} : memref<32x1024xf32, #tpu.memory_space<vmem>>, vector<16xf32>,
        tpu.vector_store %arg7[%swap3A_304, %swap3A_305], %gather3A_300 {strides = array<i32>} : memref<32x1024xf32, #tpu.memory_space<vmem>>, vector<16xf32>,
        %broadcast_in_dim3A_307 = arith.constant 29 : i32
        %broadcast_in_dim3A_308 = vector.broadcast %broadcast_in_dim3A_307 : i32 to vector<16xi32>
        %gather3A_309 = tpu.vector_load_idx %arg5[%broadcast_in_dim3A_308, %get3A_48] : memref<32x1024xf32, #tpu.memory_space<vmem>>[vector<16xi32>, vector<16xi32>], vector<16xf32>,
        %mul3A_310 = arith.constant 16 : i32
        %mul3A_311 = arith.muli %scan3A_45, %mul3A_310 : i32
        %swap3A_312 = arith.constant 29 : i32
        %swap3A_313 = arith.index_cast %swap3A_312 : i32 to index
        %swap3A_314 = arith.index_cast %mul3A_311 : i32 to index
        %swap3A_315 = tpu.vector_load %arg7[%swap3A_313, %swap3A_314] {strides = array<i32>} : memref<32x1024xf32, #tpu.memory_space<vmem>>, vector<16xf32>,
        tpu.vector_store %arg7[%swap3A_313, %swap3A_314], %gather3A_309 {strides = array<i32>} : memref<32x1024xf32, #tpu.memory_space<vmem>>, vector<16xf32>,
        %broadcast_in_dim3A_316 = arith.constant 30 : i32
        %broadcast_in_dim3A_317 = vector.broadcast %broadcast_in_dim3A_316 : i32 to vector<16xi32>
        %gather3A_318 = tpu.vector_load_idx %arg5[%broadcast_in_dim3A_317, %get3A_48] : memref<32x1024xf32, #tpu.memory_space<vmem>>[vector<16xi32>, vector<16xi32>], vector<16xf32>,
        %mul3A_319 = arith.constant 16 : i32
        %mul3A_320 = arith.muli %scan3A_45, %mul3A_319 : i32
        %swap3A_321 = arith.constant 30 : i32
        %swap3A_322 = arith.index_cast %swap3A_321 : i32 to index
        %swap3A_323 = arith.index_cast %mul3A_320 : i32 to index
        %swap3A_324 = tpu.vector_load %arg7[%swap3A_322, %swap3A_323] {strides = array<i32>} : memref<32x1024xf32, #tpu.memory_space<vmem>>, vector<16xf32>,
        tpu.vector_store %arg7[%swap3A_322, %swap3A_323], %gather3A_318 {strides = array<i32>} : memref<32x1024xf32, #tpu.memory_space<vmem>>, vector<16xf32>,
        %broadcast_in_dim3A_325 = arith.constant 31 : i32
        %broadcast_in_dim3A_326 = vector.broadcast %broadcast_in_dim3A_325 : i32 to vector<16xi32>
        %gather3A_327 = tpu.vector_load_idx %arg5[%broadcast_in_dim3A_326, %get3A_48] : memref<32x1024xf32, #tpu.memory_space<vmem>>[vector<16xi32>, vector<16xi32>], vector<16xf32>,
        %mul3A_328 = arith.constant 16 : i32
        %mul3A_329 = arith.muli %scan3A_45, %mul3A_328 : i32
        %swap3A_330 = arith.constant 31 : i32
        %swap3A_331 = arith.index_cast %swap3A_330 : i32 to index
        %swap3A_332 = arith.index_cast %mul3A_329 : i32 to index
        %swap3A_333 = tpu.vector_load %arg7[%swap3A_331, %swap3A_332] {strides = array<i32>} : memref<32x1024xf32, #tpu.memory_space<vmem>>, vector<16xf32>,
        tpu.vector_store %arg7[%swap3A_331, %swap3A_332], %gather3A_327 {strides = array<i32>} : memref<32x1024xf32, #tpu.memory_space<vmem>>, vector<16xf32>,
      }
      %scan3A_44 = arith.constant 64 : i32
      "tpu.region"() ({
        %run_scoped3A = tpu.sem_alloc : memref<!tpu.dma_semaphore, #tpu.memory_space<semaphore_mem>>
        %dma_start3A = arith.constant 0 : i32
        %dma_start3A_45 = arith.constant 0 : i32
        %dma_start3A_46 = tpu.memref_slice %arg4[%select_n3A, %dma_start3A, %dma_start3A_45] : memref<18x32x1024xf32, #tpu.memory_space<hbm>> -> memref<1x32x1024xf32, #tpu.memory_space<hbm>>
        %dma_start3A_47 = tpu.memref_squeeze %dma_start3A_46 : memref<1x32x1024xf32, #tpu.memory_space<hbm>> -> memref<32x1024xf32, #tpu.memory_space<hbm>>
        %dma_start3A_48 = arith.constant 0 : i32
        %dma_start3A_49 = tpu.memref_slice %dma_start3A_47[%dma_start3A_48, %mul3A_37] : memref<32x1024xf32, #tpu.memory_space<hbm>> -> memref<32x1024xf32, #tpu.memory_space<hbm>>
        %dma_start3A_50 = arith.constant 0 : i32
        %dma_start3A_51 = arith.constant 0 : i32
        %dma_start3A_52 = tpu.memref_slice %arg4[%select_n3A, %dma_start3A_50, %dma_start3A_51] : memref<18x32x1024xf32, #tpu.memory_space<hbm>> -> memref<1x32x1024xf32, #tpu.memory_space<hbm>>
        %dma_start3A_53 = tpu.memref_squeeze %dma_start3A_52 : memref<1x32x1024xf32, #tpu.memory_space<hbm>> -> memref<32x1024xf32, #tpu.memory_space<hbm>>
        %dma_start3A_54 = arith.constant 0 : i32
        %dma_start3A_55 = tpu.memref_slice %dma_start3A_53[%dma_start3A_54, %mul3A_37] : memref<32x1024xf32, #tpu.memory_space<hbm>> -> memref<32x1024xf32, #tpu.memory_space<hbm>>
        tpu.enqueue_dma source(%arg7 : memref<32x1024xf32, #tpu.memory_space<vmem>>) target(%dma_start3A_55 : memref<32x1024xf32, #tpu.memory_space<hbm>>) target_semaphore(%run_scoped3A : memref<!tpu.dma_semaphore, #tpu.memory_space<semaphore_mem>>)
        %dma_wait3A = arith.constant 0 : i32
        %dma_wait3A_56 = arith.constant 0 : i32
        %dma_wait3A_57 = tpu.memref_slice %arg4[%select_n3A, %dma_wait3A, %dma_wait3A_56] : memref<18x32x1024xf32, #tpu.memory_space<hbm>> -> memref<1x32x1024xf32, #tpu.memory_space<hbm>>
        %dma_wait3A_58 = tpu.memref_squeeze %dma_wait3A_57 : memref<1x32x1024xf32, #tpu.memory_space<hbm>> -> memref<32x1024xf32, #tpu.memory_space<hbm>>
        %dma_wait3A_59 = arith.constant 0 : i32
        %dma_wait3A_60 = tpu.memref_slice %dma_wait3A_58[%dma_wait3A_59, %mul3A_37] : memref<32x1024xf32, #tpu.memory_space<hbm>> -> memref<32x1024xf32, #tpu.memory_space<hbm>>
        %dma_wait3A_61 = arith.constant 0 : i32
        %dma_wait3A_62 = arith.constant 0 : i32
        %dma_wait3A_63 = tpu.memref_slice %arg4[%select_n3A, %dma_wait3A_61, %dma_wait3A_62] : memref<18x32x1024xf32, #tpu.memory_space<hbm>> -> memref<1x32x1024xf32, #tpu.memory_space<hbm>>
        %dma_wait3A_64 = tpu.memref_squeeze %dma_wait3A_63 : memref<1x32x1024xf32, #tpu.memory_space<hbm>> -> memref<32x1024xf32, #tpu.memory_space<hbm>>
        %dma_wait3A_65 = arith.constant 0 : i32
        %dma_wait3A_66 = tpu.memref_slice %dma_wait3A_64[%dma_wait3A_65, %mul3A_37] : memref<32x1024xf32, #tpu.memory_space<hbm>> -> memref<32x1024xf32, #tpu.memory_space<hbm>>
        tpu.wait_dma2 semaphore(%run_scoped3A : memref<!tpu.dma_semaphore, #tpu.memory_space<semaphore_mem>>) src(%arg7 : memref<32x1024xf32, #tpu.memory_space<vmem>>) dst(%dma_wait3A_66 : memref<32x1024xf32, #tpu.memory_space<hbm>>)
        tpu.yield
      }) : () -> ()
    } else {
    }
    return
  }
}

module attributes {stable_mosaic.version = 14 : i64} {
  func.func @_proj_init_body(%arg0: i32, %arg1: memref<1000x32xf32, #tpu.memory_space<vmem>>, %arg2: memref<1000x1xf32, #tpu.memory_space<vmem>>, %arg3: memref<1x32x1024xf32, #tpu.memory_space<vmem>>, %arg4: memref<1x1000x1024xf32, #tpu.memory_space<vmem>>) attributes {dimension_semantics = [#tpu.dimension_semantics<arbitrary>], iteration_bounds = array<i64: 32>, scalar_prefetch = 0 : i64, scratch_operands = 0 : i64, tpu.core_type = #tpu.core_type<tc>, window_params = [{pipeline_mode = #tpu.pipeline_mode<synchronous>, transform_indices = @transform_0, window_bounds = array<i64: 1000, 32>}, {pipeline_mode = #tpu.pipeline_mode<synchronous>, transform_indices = @transform_1, window_bounds = array<i64: 1000, 1>}, {transform_indices = @transform_2, window_bounds = array<i64: 1, 32, 1024>}, {transform_indices = @transform_3, window_bounds = array<i64: 1, 1000, 1024>}]} {
    %get3A = arith.constant 0 : index
    %get3A_0 = arith.constant 0 : index
    %get3A_1 = vector.load %arg1[%get3A, %get3A_0] : memref<1000x32xf32, #tpu.memory_space<vmem>>, vector<1000x32xf32>
    %get3A_2 = arith.constant 0 : index
    %get3A_3 = arith.constant 0 : index
    %get3A_4 = arith.constant 0 : index
    %get3A_5 = vector.load %arg3[%get3A_2, %get3A_3, %get3A_4] : memref<1x32x1024xf32, #tpu.memory_space<vmem>>, vector<1x32x1024xf32>
    %get3A_6 = vector.shape_cast %get3A_5 : vector<1x32x1024xf32> to vector<32x1024xf32>
    %dot_general3A = arith.constant dense<0.000000e+00> : vector<1000x1024xf32>
    %dot_general3A_7 = tpu.matmul %get3A_1, %get3A_6, %dot_general3A {dimension_numbers = #tpu.dot_dimension_numbers<[1], [0], [0], [1], [0, 0, 1, 1], [], []>, transpose_lhs_hint = false} : vector<1000x32xf32>, vector<32x1024xf32>, vector<1000x1024xf32> -> vector<1000x1024xf32>
    %get3A_8 = arith.constant 0 : index
    %get3A_9 = arith.constant 0 : index
    %get3A_10 = vector.load %arg2[%get3A_8, %get3A_9] : memref<1000x1xf32, #tpu.memory_space<vmem>>, vector<1000x1xf32>
    %add3A = vector.broadcast %get3A_10 : vector<1000x1xf32> to vector<1000x1024xf32>
    %add3A_11 = arith.addf %dot_general3A_7, %add3A : vector<1000x1024xf32>
    %swap3A = arith.constant 0 : index
    %swap3A_12 = arith.constant 0 : index
    %swap3A_13 = arith.constant 0 : index
    %swap3A_14 = vector.load %arg4[%swap3A, %swap3A_12, %swap3A_13] : memref<1x1000x1024xf32, #tpu.memory_space<vmem>>, vector<1x1000x1024xf32>
    %swap3A_15 = vector.shape_cast %swap3A_14 : vector<1x1000x1024xf32> to vector<1000x1024xf32>
    %swap3A_16 = vector.shape_cast %add3A_11 : vector<1000x1024xf32> to vector<1x1000x1024xf32>
    tpu.vector_store %arg4[%swap3A, %swap3A_12, %swap3A_13], %swap3A_16 {strides = array<i32>} : memref<1x1000x1024xf32, #tpu.memory_space<vmem>>, vector<1x1000x1024xf32>,
    return
  }
  func.func @transform_0(%arg0: i32) -> (i32, i32) {
    %c0_i32 = arith.constant 0 : i32
    %c0_i32_0 = arith.constant 0 : i32
    %c0_i32_1 = arith.constant 0 : i32
    return %c0_i32, %c0_i32_0 : i32, i32
  }
  func.func @transform_1(%arg0: i32) -> (i32, i32) {
    %c0_i32 = arith.constant 0 : i32
    %c0_i32_0 = arith.constant 0 : i32
    %c0_i32_1 = arith.constant 0 : i32
    return %c0_i32, %c0_i32_0 : i32, i32
  }
  func.func @transform_2(%arg0: i32) -> (i32, i32, i32) {
    %c0_i32 = arith.constant 0 : i32
    %c0_i32_0 = arith.constant 0 : i32
    %c0_i32_1 = arith.constant 0 : i32
    return %arg0, %c0_i32, %c0_i32_0 : i32, i32, i32
  }
  func.func @transform_3(%arg0: i32) -> (i32, i32, i32) {
    %add3A = arith.constant 0 : i32
    %add3A_0 = arith.addi %add3A, %arg0 : i32
    %c0_i32 = arith.constant 0 : i32
    %c0_i32_1 = arith.constant 0 : i32
    %c0_i32_2 = arith.constant 0 : i32
    return %add3A_0, %c0_i32, %c0_i32_1 : i32, i32, i32
  }
}

module attributes {stable_mosaic.version = 14 : i64} {
  func.func @_proj_update_body(%arg0: i32, %arg1: memref<1000x32xf32, #tpu.memory_space<vmem>>, %arg2: memref<1000x1xf32, #tpu.memory_space<vmem>>, %arg3: memref<1x32x1024xf32, #tpu.memory_space<vmem>>, %arg4: memref<50x1000x1024xf32, #tpu.memory_space<any>>, %arg5: memref<1x1000x1024xf32, #tpu.memory_space<vmem>>) attributes {dimension_semantics = [#tpu.dimension_semantics<arbitrary>], iteration_bounds = array<i64: 18>, scalar_prefetch = 0 : i64, scratch_operands = 0 : i64, tpu.core_type = #tpu.core_type<tc>, window_params = [{pipeline_mode = #tpu.pipeline_mode<synchronous>, transform_indices = @transform_0, window_bounds = array<i64: 1000, 32>}, {pipeline_mode = #tpu.pipeline_mode<synchronous>, transform_indices = @transform_1, window_bounds = array<i64: 1000, 1>}, {transform_indices = @transform_2, window_bounds = array<i64: 1, 32, 1024>}, {}, {transform_indices = @transform_4, window_bounds = array<i64: 1, 1000, 1024>}]} {
    %get3A = arith.constant 0 : index
    %get3A_0 = arith.constant 0 : index
    %get3A_1 = vector.load %arg1[%get3A, %get3A_0] : memref<1000x32xf32, #tpu.memory_space<vmem>>, vector<1000x32xf32>
    %get3A_2 = arith.constant 0 : index
    %get3A_3 = arith.constant 0 : index
    %get3A_4 = arith.constant 0 : index
    %get3A_5 = vector.load %arg3[%get3A_2, %get3A_3, %get3A_4] : memref<1x32x1024xf32, #tpu.memory_space<vmem>>, vector<1x32x1024xf32>
    %get3A_6 = vector.shape_cast %get3A_5 : vector<1x32x1024xf32> to vector<32x1024xf32>
    %dot_general3A = arith.constant dense<0.000000e+00> : vector<1000x1024xf32>
    %dot_general3A_7 = tpu.matmul %get3A_1, %get3A_6, %dot_general3A {dimension_numbers = #tpu.dot_dimension_numbers<[1], [0], [0], [1], [0, 0, 1, 1], [], []>, transpose_lhs_hint = false} : vector<1000x32xf32>, vector<32x1024xf32>, vector<1000x1024xf32> -> vector<1000x1024xf32>
    %get3A_8 = arith.constant 0 : index
    %get3A_9 = arith.constant 0 : index
    %get3A_10 = vector.load %arg2[%get3A_8, %get3A_9] : memref<1000x1xf32, #tpu.memory_space<vmem>>, vector<1000x1xf32>
    %add3A = vector.broadcast %get3A_10 : vector<1000x1xf32> to vector<1000x1024xf32>
    %add3A_11 = arith.addf %dot_general3A_7, %add3A : vector<1000x1024xf32>
    %swap3A = arith.constant 0 : index
    %swap3A_12 = arith.constant 0 : index
    %swap3A_13 = arith.constant 0 : index
    %swap3A_14 = vector.load %arg5[%swap3A, %swap3A_12, %swap3A_13] : memref<1x1000x1024xf32, #tpu.memory_space<vmem>>, vector<1x1000x1024xf32>
    %swap3A_15 = vector.shape_cast %swap3A_14 : vector<1x1000x1024xf32> to vector<1000x1024xf32>
    %swap3A_16 = vector.shape_cast %add3A_11 : vector<1000x1024xf32> to vector<1x1000x1024xf32>
    tpu.vector_store %arg5[%swap3A, %swap3A_12, %swap3A_13], %swap3A_16 {strides = array<i32>} : memref<1x1000x1024xf32, #tpu.memory_space<vmem>>, vector<1x1000x1024xf32>,
    return
  }
  func.func @transform_0(%arg0: i32) -> (i32, i32) {
    %c0_i32 = arith.constant 0 : i32
    %c0_i32_0 = arith.constant 0 : i32
    %c0_i32_1 = arith.constant 0 : i32
    return %c0_i32, %c0_i32_0 : i32, i32
  }
  func.func @transform_1(%arg0: i32) -> (i32, i32) {
    %c0_i32 = arith.constant 0 : i32
    %c0_i32_0 = arith.constant 0 : i32
    %c0_i32_1 = arith.constant 0 : i32
    return %c0_i32, %c0_i32_0 : i32, i32
  }
  func.func @transform_2(%arg0: i32) -> (i32, i32, i32) {
    %c0_i32 = arith.constant 0 : i32
    %c0_i32_0 = arith.constant 0 : i32
    %c0_i32_1 = arith.constant 0 : i32
    return %arg0, %c0_i32, %c0_i32_0 : i32, i32, i32
  }
  func.func @transform_4(%arg0: i32) -> (i32, i32, i32) {
    %add3A = arith.constant 32 : i32
    %add3A_0 = arith.addi %add3A, %arg0 : i32
    %c0_i32 = arith.constant 0 : i32
    %c0_i32_1 = arith.constant 0 : i32
    %c0_i32_2 = arith.constant 0 : i32
    return %add3A_0, %c0_i32, %c0_i32_1 : i32, i32, i32
  }
}

</mosaic_0001>

<sc_bundles>
// kernel: kernel.6.cloned.1.call-start
scs
__scs_entry_jumppad:
0x0: {  	(pc) =	sbr.rel $0x88, $3  }
0x1: {  	(tag) =	ssettag $0x0;
	lr =	simm.s32 $0x1  }
0x2: {  	[smem:$0x3F9D] =	sst lr;
	_ =	strace $0xD0000000  }
0x3: {  	_ = 	snop  }
0x4: {  	_ = 	snop  }
0x5: {  	_ = 	snop  }
0x6: {  	_ = 	snop  }
0x7: {  	_ = 	snop  }
__scs_overlays_trampoline_lowered:
0x8: {  	[smem:$0x3FAC] =	sst s0  }
0x9: {  	[smem:$0x3FAD] =	sst s1  }
0xa: {  	[smem:$0x3FAE] =	sst s2  }
0xb: {  	[smem:$0x3FAF] =	sst s3  }
0xc: {  	[smem:$0x3FB0] =	sst s4  }
0xd: {  	[smem:$0x3FB1] =	sst s5  }
0xe: {  	[smem:$0x3FB2] =	sst s6  }
0xf: {  	[smem:$0x3FB3] =	sst s7  }
0x10: {  	[smem:$0x3FB4] =	sst s8  }
0x11: {  	[smem:$0x3FB5] =	sst s9;
	s0 =	simm.s32 @!p0 $0x0  }
0x12: {  	s1 =	sld [smem:$0x3F9B];
	s0 =	simm.s32 @p0 $0x1  }
0x13: {  	[smem:$0x3FB6] =	sst s0;
	s0 =	simm.s32 @!p1 $0x0  }
0x14: {  	s2 =	sld [smem:$0x3F9A];
	s0 =	simm.s32 @p1 $0x1  }
0x15: {  	[smem:$0x3FB7] =	sst s0;
	s0 =	simm.s32 @!p2 $0x0  }
0x16: {  	s3 =	sld [smem:$0x3FDB];
	s0 =	simm.s32 @p2 $0x1  }
0x17: {  	s4 =	simm.s32 $0x1BF5;
	[smem:$0x3FB9] =	sst s0  }
0x18: {  	s0 =	sld [smem:$0x3F9C];
	_ =	swait.ge [sflag:s4], $0x0  }
0x19: {  	s7 =	sld [smem:$0x3F9D]  }
0x1a: {  	s8 =	sadd.s32 $0xFFFFE003, lr  }
0x1b: {  	s9 =	sadd.s32 $0xFFFFFEF7, lr;
	s5 =	simm.s32 $0xFFFFFFFF;
	p2 =	slt.u32 s8, $0xFFFFF086  }
0x1c: {  	p1 =	slt.u32 s9, $0xF7A;
	s5 =	simm.s32 @!p2 $0x0  }
0x1d: {  	s5 =	simm.s32 @p1 $0x1;
	p0 =	seq.s32 s7, s2  }
0x1e: {  	s7 =	smul.u32 @!p0 $0xF7A, s2;
	p2 =	seq.s32 @!p0 s5, $0x0  }
0x1f: {  	s9 =	smul.u32 $0xF7A, s1;
	s8 =	simm.s32 @!p0 $0x1BF5;
	p2 =	por !p2, p0  }
0x20: {  	[sflag:s8] =	ssyncset.s32 @!p0 $0xFFFFF086;
	s6 =	sadd.s32 @!p0 s3, s7;
	s7 =	simm.s32 @!p0 $0x108  }
0x21: {  	s3 =	sadd.s32 s3, s9;
	s6 =	sadd.s32 @!p0 $0x88, s6;
	s7 =	simm.s32 @p2 $0x1082  }
0x22: {  	[simem:s7], [sflag:s8] =	dma.local @!p0 [hbm:s6], $0xF7A  }
0x23: {  	s9 =	sor.u32 $0xD0000000, s2;
	s6 =	simm.s32 $0x108;
	_ =	swait.ge @!p0 [sflag:s8], $0x0  }
0x24: {  	s3 =	sadd.s32 $0x88, s3;
	s6 =	simm.s32 @!p1 $0x1082;
	[sflag:s4] =	ssyncset.s32 $0xFFFFF086  }
0x25: {  	[simem:s6], [sflag:s4] =	dma.local [hbm:s3], $0xF7A  }
0x26: {  	[smem:$0x3F9D] =	sst s1;
	(tag) =	ssettag s2;
	_ =	strace s9  }
0x27: {  	s1 =	sld [smem:$0x3FAD]  }
0x28: {  	s2 =	sld [smem:$0x3FAE]  }
0x29: {  	s4 =	sld [smem:$0x3FB0]  }
0x2a: {  	p0 =	seq.s32 s5, $0x0;
	s5 =	sld [smem:$0x3FB1]  }
0x2b: {  	s6 =	sld [smem:$0x3FB2]  }
0x2c: {  	s7 =	sld [smem:$0x3FB3]  }
0x2d: {  	s3 =	simm.s32 $0x108;
	s8 =	sld [smem:$0x3FB4]  }
0x2e: {  	s3 =	simm.s32 @!p0 $0x1082;
	s9 =	sld [smem:$0x3FB5]  }
0x2f: {  	lr =	sadd.s32 s0, s3;
	s0 =	sld [smem:$0x3FAC]  }
0x30: {  	s3 =	sld [smem:$0x3FAF]  }
0x31: {  	[smem:$0x3FB8] =	sst s10  }
0x32: {  	s10 =	sld [smem:$0x3FB6];
	_ =	sdelay $0x3  }
0x33: {  	p0 =	seq.s32 s10, $0x1;
	s10 =	sld [smem:$0x3FB8];
	_ =	sdelay $0x3  }
0x34: {  	[smem:$0x3FB8] =	sst s10  }
0x35: {  	s10 =	sld [smem:$0x3FB7];
	_ =	sdelay $0x3  }
0x36: {  	p1 =	seq.s32 s10, $0x1;
	s10 =	sld [smem:$0x3FB8];
	_ =	sdelay $0x3  }
0x37: {  	[smem:$0x3FB8] =	sst s10  }
0x38: {  	s10 =	sld [smem:$0x3FB9]  }
0x39: {  	_ = 	snop;
	(pc) =	sbr.ind lr, $3  }
0x3a: {  	_ = 	snop  }
0x3b: {  	_ = 	snop  }
0x3c: {  	p2 =	seq.s32 s10, $0x1;
	s10 =	sld [smem:$0x3FB8]  }
0x3d: {  	_ =	shalt  }
0x3e: {  	_ =	shalt  }
0x3f: {  	_ =	shalt  }
0x40: {  	_ =	shalt  }
0x41: {  	_ =	shalt  }
0x42: {  	_ =	shalt  }
0x43: {  	_ =	shalt  }
0x44: {  	_ =	shalt  }
0x45: {  	_ =	shalt  }
0x46: {  	_ =	shalt  }
0x47: {  	_ =	shalt  }
0x48: {  	_ =	shalt  }
0x49: {  	_ =	shalt  }
0x4a: {  	_ =	shalt  }
0x4b: {  	_ =	shalt  }
0x4c: {  	_ =	shalt  }
0x4d: {  	_ =	shalt  }
0x4e: {  	_ =	shalt  }
0x4f: {  	_ =	shalt  }
0x50: {  	_ =	shalt  }
0x51: {  	_ =	shalt  }
0x52: {  	_ =	shalt  }
0x53: {  	_ =	shalt  }
0x54: {  	_ =	shalt  }
0x55: {  	_ =	shalt  }
0x56: {  	_ =	shalt  }
0x57: {  	_ =	shalt  }
0x58: {  	_ =	shalt  }
0x59: {  	_ =	shalt  }
0x5a: {  	_ =	shalt  }
0x5b: {  	_ =	shalt  }
0x5c: {  	_ =	shalt  }
0x5d: {  	_ =	shalt  }
0x5e: {  	_ =	shalt  }
0x5f: {  	_ =	shalt  }
0x60: {  	_ =	shalt  }
0x61: {  	_ =	shalt  }
0x62: {  	_ =	shalt  }
0x63: {  	_ =	shalt  }
0x64: {  	_ =	shalt  }
0x65: {  	_ =	shalt  }
0x66: {  	_ =	shalt  }
0x67: {  	_ =	shalt  }
0x68: {  	_ =	shalt  }
0x69: {  	_ =	shalt  }
0x6a: {  	_ =	shalt  }
0x6b: {  	_ =	shalt  }
0x6c: {  	_ =	shalt  }
0x6d: {  	_ =	shalt  }
0x6e: {  	_ =	shalt  }
0x6f: {  	_ =	shalt  }
0x70: {  	_ =	shalt  }
0x71: {  	_ =	shalt  }
0x72: {  	_ =	shalt  }
0x73: {  	_ =	shalt  }
0x74: {  	_ =	shalt  }
0x75: {  	_ =	shalt  }
0x76: {  	_ =	shalt  }
0x77: {  	_ =	shalt  }
0x78: {  	_ =	shalt  }
0x79: {  	_ =	shalt  }
0x7a: {  	_ =	shalt  }
0x7b: {  	_ =	shalt  }
0x7c: {  	_ =	shalt  }
0x7d: {  	_ =	shalt  }
0x7e: {  	_ =	shalt  }
0x7f: {  	_ =	shalt  }
0x80: {  	_ =	shalt  }
0x81: {  	_ =	shalt  }
0x82: {  	_ =	shalt  }
0x83: {  	_ =	shalt  }
0x84: {  	_ =	shalt  }
0x85: {  	_ =	shalt  }
0x86: {  	_ =	shalt  }
0x87: {  	_ =	shalt  }
.Lfunc_end0:
.L_simem_size_0:
called_computation_lowered:
.L_overlay_start_0:
0x88: {  	s2 =	sld [smem:$0x3FD9]  }
0x89: {  	s3 =	sld [smem:$0x3FFE];
	_ =	sdelay $0x1  }
0x8a: {  	s1 =	srdreg.scid  }
0x8b: {  	s0 =	sand.u32 $0x1, s1  }
0x8c: {  	s17 =	sshll.u32 s0, $0xA;
	s2 =	sadd.s32 s3, s2  }
0x8d: {  	s2 =	sadd.s32 s2, s17  }
0x8e: {  	[smem:$0x3FC4] =	sst s2  }
0x8f: {  	_ = 	snop  }
0x90: {  	s2 =	sld [smem:$0x3FC9]  }
0x91: {  	s18 =	sld [smem:$0x3FD0];
	(tm) =	ssettm $0x1  }
0x92: {  	s4 =	sld [smem:$0x3FFB];
	_ =	sdelay $0x3  }
0x93: {  	_ =	strace s4  }
0x94: {  	s4 =	sld [smem:$0x3FFC];
	_ =	sdelay $0x3  }
0x95: {  	_ =	strace s4  }
0x96: {  	s4 =	sld [smem:$0x3FFD];
	_ =	sdelay $0x3  }
0x97: {  	_ =	strace s4  }
0x98: {  	_ =	strace $0x8FFFFFFF  }
0x99: {  	s19 =	sld [smem:$0x3FDB];
	_ =	sdelay $0x1  }
0x9a: {  	s5 =	simm.s32 $_scs_section_size  }
0x9b: {  	s6 =	simm.s32 $_size__tile_overlayer_lowered;
	s7 =	simm.s32 $_tile_overlayer_lowered  }
0x9c: {  	s22 =	simm.s32 $0x1BFF;
	s21 =	sshll.u32 s7, $0x1;
	s4 =	sadd.s32 s5, s19  }
0x9d: {  	s8 =	simm.s32 $0x0;
	s20 =	sshll.u32 s6, $0x1;
	s6 =	sadd.s32 s21, s4  }
0x9e: {  	[timem:s8], [sflag:s22] =	dma.local [hbm:s6], s20  }
0x9f: {  	_ =	swait.ge [sflag:s22], s20  }
0xa0: {  	s5 =	ssub.s32 $0x0, s20;
	[sflag:s22] =	ssyncset.done $0x0  }
0xa1: {  	[sflag:s22] =	ssyncadd.s32 s5;
	_ =	sdelay $0x1  }
0xa2: {  	s23 =	simm.s32 $0x1B8B  }
0xa3: {  	_ =	swait.ge [sflag:s23], $0x1  }
0xa4: {  	[sflag:s23] =	ssyncset.done $0x0  }
0xa5: {  	s25 =	simm.s32 $0x1B8E;
	s24 =	sld [smem:$0x3FFE];
	[sflag:s23] =	ssyncadd.s32 $0xFFFFFFFF  }
0xa6: {  	s26 =	simm.s32 $execute0_lowered;
	[smem:$0x3FD2] =	sst s25  }
0xa7: {  	s6 =	sshll.u32 s26, $0x1;
	_ =	strace $0x80000046;
	[dreg:$0x1] =	wrdreg $0xFFFFFFFF  }
0xa8: {  	s28 =	simm.s32 $_size_execute0_lowered;
	s4 =	sadd.s32 s4, s6;
	[dreg:$0x0] =	wrdreg $0x0  }
0xa9: {  	s6 =	sshll.u32 s28, $0x1;
	[dreg:$0x2] =	wrdreg s4  }
0xaa: {  	[dreg:$0x3] =	wrdreg s6  }
0xab: {  	[dreg:$0x4] =	wrdreg $0xC0  }
0xac: {  	_ =	task [dreg:s8], $0x5FFFF  }
0xad: {  	[dreg:$0x1] =	wrdreg $0xFFFFFFFF  }
0xae: {  	[dreg:$0x0] =	wrdreg $0x60  }
0xaf: {  	[dreg:$0x2] =	wrdreg s24  }
0xb0: {  	[dreg:$0x3] =	wrdreg s2  }
0xb1: {  	[dreg:$0x4] =	wrdreg s18  }
0xb2: {  	[dreg:$0x5] =	wrdreg $0x9  }
0xb3: {  	_ =	task.clear_ibuf [dreg:s8], $0x6FFFF;
	_ =	strace $0x90000046  }
0xb4: {  	s29 =	simm.s32 $0x9;
	_ =	strace $0x80000048  }
0xb5: {  	_ =	swait.ge [sflag:s29], $0x1  }
0xb6: {  	[sflag:s29] =	ssyncadd.s32 $0xFFFFFFFF  }
0xb7: {  	_ =	strace $0x90000048  }
0xb8: {  	_ =	sfence  }
0xb9: {  	s30 =	sld [smem:$0x0];
	_ =	sdelay $0x2  }
0xba: {  	s31 =	sshll.u32 s1, $0xD;
	s1 =	sshrl.u32 s1, $0x2  }
0xbb: {  	s3 =	sand.u32 $0x4000, s31;
	s1 =	sadd.s32 s1, s30  }
0xbc: {  	s0 =	sor.u32 s3, s0;
	s1 =	sshll.u32 s1, $0x11  }
0xbd: {  	s0 =	sor.u32 s1, s0  }
0xbe: {  	s0 =	sadd.s32 $0x8F2B, s0  }
0xbf: {  	[sflag:s0] =	ssyncadd.remote.s32 $0x1  }
0xc0: {  	_ =	sfence.sel $0xFFFF  }
0xc1: {  	[dreg:$0x0] =	wrdreg $0xFFFFFFFF;
	(pc) =	sbr.abs _section_cstart, $3  }
0xc2: {  	[dreg:$0x1] =	wrdreg $0xFFFFFFFF  }
0xc3: {  	_ =	task.clear_ibuf [dreg:s8], $0x2FFFF;
	_ =	strace $0x9FFFFFFF  }
0xc4: {  	(tm) =	ssettm $0x7FFFFFFF  }
0xc5: {  	_ =	shalt  }
tec
execute0_lowered:
.L_overlay_start_1:
0x0: {  	(tag) =	ssettag $0x1  }
0x1: {  	s3 =	rddreg [dreg:$0x0]  }
0x2: {  	s4 =	rddreg [dreg:$0x1]  }
0x3: {  	s5 =	rddreg [dreg:$0x2]  }
0x4: {  	s0 =	rddreg [dreg:$0x3];
	s2 =	simm.s32 $0x0;
	s6 =	srdreg.scid  }
0x5: {  	s1 =	stileid.u32;
	s11 =	simm.s32 $0x0;
	[smem:$0x7FF] =	sst s2  }
0x6: {  	s3 =	sadd.s32 $0xC00, s3;
	s6 =	sand.u32 $0x1, s6;
	s7 =	sshll.u32 s1, $0x1  }
0x7: {  	s30 =	sshll.u32 s1, $0x8;
	_ =	strace $0x80000047;
	s8 =	ssub.s32 $0x2, s6  }
0x8: {  	s6 =	sor.u32 s6, s7;
	s7 =	sand.u32 $0xC00, s30;
	s9 =	sshrl.u32 s8, $0x1  }
0x9: {  	s10 =	sshll.u32 s6, $0x4;
	s4 =	sadd.s32 s4, s7;
	s6 =	sshll.u32 s6, $0xC  }
0xa: {  	s7 =	simm.s32 $0x1;
	s10 =	sand.u32 $0x70, s10;
	s31 =	ssub.s32 s8, s9  }
0xb: {  	s5 =	sadd.s32 s5, s6;
	s8 =	simm.s32 $0x80;
	s9 =	simm.s32 $0x400  }
0xc: {  	s4 =	sadd.s32 s10, s4;
	s6 =	smax.u32 s31, $0x1;
	s10 =	simm.s32 $0x8400  }
.LBB2_1:
0xd: {  	[tilespmem:s2], [sflag:$0x1] =	stream.linear.gather [hbm4b:s3+s2], $0x8000, $0x38;
	[tilespmem:$0x10400] =	vst v63  }
0xe: {  	_ =	swait.ge [sflag:s7], $0x8000  }
0xf: {  	[sflag:s7] =	ssyncset.done $0x0  }
0x10: {  	s12 =	simm.s32 $0x8000;
	[sflag:s7] =	ssyncadd.s32 $0xFFFF8000  }
0x11: {  	[tilespmem:s12], [sflag:$0x1] =	stream.strided.gather [hbm4b:s4+s8], $0x400, s9, s8, $0x38;
	[tilespmem:$0x10400] =	vst v63  }
0x12: {  	_ =	swait.ge [sflag:s7], $0x400  }
0x13: {  	[sflag:s7] =	ssyncset.done $0x0  }
0x14: {  	[sflag:s7] =	ssyncadd.s32 $0xFFFFFC00  }
0x15: {  	v0 =	vld [tilespmem:s12+$0x0];
	_ =	sdelay $0x4  }
0x16: {  	v1 =	vshll.u32 v0, $0x3  }
0x17: {  	v0 =	vand.u32 $0x7F, v0;
	v1 =	vand.u32 $0xFFFFFC00, v1  }
0x18: {  	v0 =	vor.u32 v0, v1;
	_ =	sdelay $0x4  }
0x19: {  	v1 =	vld.idx.msk [tilespmem:v0+s2+$0x0], $0xffff  }
0x1a: {  	v2 =	vor.u32 $0x80, v0;
	_ =	sdelay $0x1  }
0x1b: {  	s13 =	sand.u32 $0x70, s2;
	s14 =	sand.u32 $0x1C00, s2  }
0x1c: {  	s13 =	sor.u32 s13, s14  }
0x1d: {  	[tilespmem:s13+$0x8400] =	vst v1  }
0x1e: {  	v1 =	vld.idx.msk [tilespmem:v2+s2+$0x0], $0xffff  }
0x1f: {  	v2 =	vor.u32 $0x100, v0;
	_ =	sdelay $0x3  }
0x20: {  	[tilespmem:s13+$0x8480] =	vst v1  }
0x21: {  	v1 =	vld.idx.msk [tilespmem:v2+s2+$0x0], $0xffff  }
0x22: {  	v2 =	vor.u32 $0x180, v0;
	_ =	sdelay $0x3  }
0x23: {  	[tilespmem:s13+$0x8500] =	vst v1  }
0x24: {  	v1 =	vld.idx.msk [tilespmem:v2+s2+$0x0], $0xffff  }
0x25: {  	v2 =	vor.u32 $0x200, v0;
	_ =	sdelay $0x3  }
0x26: {  	[tilespmem:s13+$0x8580] =	vst v1  }
0x27: {  	v1 =	vld.idx.msk [tilespmem:v2+s2+$0x0], $0xffff  }
0x28: {  	v2 =	vor.u32 $0x280, v0;
	_ =	sdelay $0x3  }
0x29: {  	[tilespmem:s13+$0x8600] =	vst v1  }
0x2a: {  	v1 =	vld.idx.msk [tilespmem:v2+s2+$0x0], $0xffff  }
0x2b: {  	v2 =	vor.u32 $0x300, v0;
	_ =	sdelay $0x3  }
0x2c: {  	[tilespmem:s13+$0x8680] =	vst v1  }
0x2d: {  	v1 =	vld.idx.msk [tilespmem:v2+s2+$0x0], $0xffff  }
0x2e: {  	v2 =	vor.u32 $0x380, v0;
	_ =	sdelay $0x3  }
0x2f: {  	[tilespmem:s13+$0x8700] =	vst v1  }
0x30: {  	v1 =	vld.idx.msk [tilespmem:v2+s2+$0x0], $0xffff  }
0x31: {  	v2 =	vadd.s32 $0x2000, v0;
	_ =	sdelay $0x1  }
0x32: {  	s31 =	sor.u32 s2, s2  }
0x33: {  	s14 =	sor.u32 $0x380, s31  }
0x34: {  	[tilespmem:s14+$0x8400] =	vst v1  }
0x35: {  	v1 =	vld.idx.msk [tilespmem:v2+s2+$0x0], $0xffff  }
0x36: {  	v2 =	vadd.s32 $0x2080, v0;
	_ =	sdelay $0x3  }
0x37: {  	[tilespmem:s13+$0xA400] =	vst v1  }
0x38: {  	v1 =	vld.idx.msk [tilespmem:v2+s2+$0x0], $0xffff  }
0x39: {  	v2 =	vadd.s32 $0x2100, v0;
	_ =	sdelay $0x3  }
0x3a: {  	[tilespmem:s13+$0xA480] =	vst v1  }
0x3b: {  	v1 =	vld.idx.msk [tilespmem:v2+s2+$0x0], $0xffff  }
0x3c: {  	v2 =	vadd.s32 $0x2180, v0;
	_ =	sdelay $0x3  }
0x3d: {  	[tilespmem:s13+$0xA500] =	vst v1  }
0x3e: {  	v1 =	vld.idx.msk [tilespmem:v2+s2+$0x0], $0xffff  }
0x3f: {  	v2 =	vadd.s32 $0x2200, v0;
	_ =	sdelay $0x3  }
0x40: {  	[tilespmem:s13+$0xA580] =	vst v1  }
0x41: {  	v1 =	vld.idx.msk [tilespmem:v2+s2+$0x0], $0xffff  }
0x42: {  	v2 =	vadd.s32 $0x2280, v0;
	_ =	sdelay $0x3  }
0x43: {  	[tilespmem:s13+$0xA600] =	vst v1  }
0x44: {  	v1 =	vld.idx.msk [tilespmem:v2+s2+$0x0], $0xffff  }
0x45: {  	v2 =	vadd.s32 $0x2300, v0;
	_ =	sdelay $0x3  }
0x46: {  	[tilespmem:s13+$0xA680] =	vst v1  }
0x47: {  	v1 =	vld.idx.msk [tilespmem:v2+s2+$0x0], $0xffff  }
0x48: {  	v2 =	vadd.s32 $0x2380, v0;
	_ =	sdelay $0x3  }
0x49: {  	[tilespmem:s13+$0xA700] =	vst v1  }
0x4a: {  	v1 =	vld.idx.msk [tilespmem:v2+s2+$0x0], $0xffff  }
0x4b: {  	v2 =	vadd.s32 $0x4000, v0;
	_ =	sdelay $0x3  }
0x4c: {  	[tilespmem:s13+$0xA780] =	vst v1  }
0x4d: {  	v1 =	vld.idx.msk [tilespmem:v2+s2+$0x0], $0xffff  }
0x4e: {  	v2 =	vadd.s32 $0x4080, v0;
	_ =	sdelay $0x3  }
0x4f: {  	[tilespmem:s13+$0xC400] =	vst v1  }
0x50: {  	v1 =	vld.idx.msk [tilespmem:v2+s2+$0x0], $0xffff  }
0x51: {  	v2 =	vadd.s32 $0x4100, v0;
	_ =	sdelay $0x3  }
0x52: {  	[tilespmem:s13+$0xC480] =	vst v1  }
0x53: {  	v1 =	vld.idx.msk [tilespmem:v2+s2+$0x0], $0xffff  }
0x54: {  	v2 =	vadd.s32 $0x4180, v0;
	_ =	sdelay $0x3  }
0x55: {  	[tilespmem:s13+$0xC500] =	vst v1  }
0x56: {  	v1 =	vld.idx.msk [tilespmem:v2+s2+$0x0], $0xffff  }
0x57: {  	v2 =	vadd.s32 $0x4200, v0;
	_ =	sdelay $0x3  }
0x58: {  	[tilespmem:s13+$0xC580] =	vst v1  }
0x59: {  	v1 =	vld.idx.msk [tilespmem:v2+s2+$0x0], $0xffff  }
0x5a: {  	v2 =	vadd.s32 $0x4280, v0;
	_ =	sdelay $0x3  }
0x5b: {  	[tilespmem:s13+$0xC600] =	vst v1  }
0x5c: {  	v1 =	vld.idx.msk [tilespmem:v2+s2+$0x0], $0xffff  }
0x5d: {  	v2 =	vadd.s32 $0x4300, v0;
	_ =	sdelay $0x3  }
0x5e: {  	[tilespmem:s13+$0xC680] =	vst v1  }
0x5f: {  	v1 =	vld.idx.msk [tilespmem:v2+s2+$0x0], $0xffff  }
0x60: {  	v2 =	vadd.s32 $0x4380, v0;
	_ =	sdelay $0x3  }
0x61: {  	[tilespmem:s13+$0xC700] =	vst v1  }
0x62: {  	v1 =	vld.idx.msk [tilespmem:v2+s2+$0x0], $0xffff  }
0x63: {  	v2 =	vadd.s32 $0x6000, v0;
	_ =	sdelay $0x3  }
0x64: {  	[tilespmem:s13+$0xC780] =	vst v1  }
0x65: {  	v1 =	vld.idx.msk [tilespmem:v2+s2+$0x0], $0xffff  }
0x66: {  	v2 =	vadd.s32 $0x6080, v0;
	_ =	sdelay $0x3  }
0x67: {  	[tilespmem:s13+$0xE400] =	vst v1  }
0x68: {  	v1 =	vld.idx.msk [tilespmem:v2+s2+$0x0], $0xffff  }
0x69: {  	v2 =	vadd.s32 $0x6100, v0;
	_ =	sdelay $0x3  }
0x6a: {  	[tilespmem:s13+$0xE480] =	vst v1  }
0x6b: {  	v1 =	vld.idx.msk [tilespmem:v2+s2+$0x0], $0xffff  }
0x6c: {  	v2 =	vadd.s32 $0x6180, v0;
	_ =	sdelay $0x3  }
0x6d: {  	[tilespmem:s13+$0xE500] =	vst v1  }
0x6e: {  	v1 =	vld.idx.msk [tilespmem:v2+s2+$0x0], $0xffff  }
0x6f: {  	v2 =	vadd.s32 $0x6200, v0;
	_ =	sdelay $0x3  }
0x70: {  	[tilespmem:s13+$0xE580] =	vst v1  }
0x71: {  	v1 =	vld.idx.msk [tilespmem:v2+s2+$0x0], $0xffff  }
0x72: {  	v2 =	vadd.s32 $0x6280, v0;
	_ =	sdelay $0x3  }
0x73: {  	[tilespmem:s13+$0xE600] =	vst v1  }
0x74: {  	v1 =	vld.idx.msk [tilespmem:v2+s2+$0x0], $0xffff  }
0x75: {  	v2 =	vadd.s32 $0x6300, v0;
	_ =	sdelay $0x3  }
0x76: {  	[tilespmem:s13+$0xE680] =	vst v1  }
0x77: {  	v1 =	vld.idx.msk [tilespmem:v2+s2+$0x0], $0xffff  }
0x78: {  	v0 =	vadd.s32 $0x6380, v0;
	_ =	sdelay $0x3  }
0x79: {  	[tilespmem:s13+$0xE700] =	vst v1  }
0x7a: {  	s15 =	simm.s32 $0x0;
	s14 =	simm.s32 $0x10;
	v0 =	vld.idx.msk [tilespmem:v0+s2+$0x0], $0xffff  }
.LBB2_2:
0x7b: {  	_ =	sdelay $0x3  }
0x7c: {  	p0 =	sne.s32 s14, $0x3F0;
	s15 =	sadd.s32 $0x80, s15;
	s12 =	sadd.s32 $0x10, s12;
	[tilespmem:s13+$0xE780] =	vst v0  }
0x7d: {  	s16 =	smov.u32 s14;
	s14 =	sadd.s32 $0x10, s14;
	v0 =	vld [tilespmem:s12+$0x0];
	_ =	sdelay $0x4  }
0x7e: {  	v1 =	vshll.u32 v0, $0x3  }
0x7f: {  	v0 =	vand.u32 $0x7F, v0;
	v1 =	vand.u32 $0xFFFFFC00, v1  }
0x80: {  	v0 =	vor.u32 v0, v1;
	_ =	sdelay $0x4  }
0x81: {  	v1 =	vld.idx.msk [tilespmem:v0+s2+$0x0], $0xffff;
	_ =	sdelay $0x1  }
0x82: {  	v2 =	vor.u32 $0x80, v0;
	_ =	sdelay $0x1  }
0x83: {  	s17 =	sand.u32 $0x1C00, s15;
	s13 =	sand.u32 $0x70, s16  }
0x84: {  	s13 =	sor.u32 s13, s17  }
0x85: {  	[tilespmem:s13+$0x8400] =	vst v1  }
0x86: {  	v1 =	vld.idx.msk [tilespmem:v2+s2+$0x0], $0xffff;
	_ =	sdelay $0x1  }
0x87: {  	v2 =	vor.u32 $0x100, v0;
	_ =	sdelay $0x3  }
0x88: {  	[tilespmem:s13+$0x8480] =	vst v1  }
0x89: {  	v1 =	vld.idx.msk [tilespmem:v2+s2+$0x0], $0xffff;
	_ =	sdelay $0x1  }
0x8a: {  	v2 =	vor.u32 $0x180, v0;
	_ =	sdelay $0x3  }
0x8b: {  	[tilespmem:s13+$0x8500] =	vst v1  }
0x8c: {  	v1 =	vld.idx.msk [tilespmem:v2+s2+$0x0], $0xffff;
	_ =	sdelay $0x1  }
0x8d: {  	v2 =	vor.u32 $0x200, v0;
	_ =	sdelay $0x3  }
0x8e: {  	[tilespmem:s13+$0x8580] =	vst v1  }
0x8f: {  	v1 =	vld.idx.msk [tilespmem:v2+s2+$0x0], $0xffff;
	_ =	sdelay $0x1  }
0x90: {  	v2 =	vor.u32 $0x280, v0;
	_ =	sdelay $0x3  }
0x91: {  	[tilespmem:s13+$0x8600] =	vst v1  }
0x92: {  	v1 =	vld.idx.msk [tilespmem:v2+s2+$0x0], $0xffff;
	_ =	sdelay $0x1  }
0x93: {  	v2 =	vor.u32 $0x300, v0;
	_ =	sdelay $0x3  }
0x94: {  	[tilespmem:s13+$0x8680] =	vst v1  }
0x95: {  	v1 =	vld.idx.msk [tilespmem:v2+s2+$0x0], $0xffff;
	_ =	sdelay $0x1  }
0x96: {  	v2 =	vor.u32 $0x380, v0;
	_ =	sdelay $0x3  }
0x97: {  	[tilespmem:s13+$0x8700] =	vst v1  }
0x98: {  	v1 =	vld.idx.msk [tilespmem:v2+s2+$0x0], $0xffff;
	_ =	sdelay $0x1  }
0x99: {  	v2 =	vadd.s32 $0x2000, v0;
	_ =	sdelay $0x1  }
0x9a: {  	s16 =	sor.u32 s15, s16  }
0x9b: {  	s16 =	sor.u32 $0x380, s16  }
0x9c: {  	[tilespmem:s16+$0x8400] =	vst v1  }
0x9d: {  	v1 =	vld.idx.msk [tilespmem:v2+s2+$0x0], $0xffff;
	_ =	sdelay $0x1  }
0x9e: {  	v2 =	vadd.s32 $0x2080, v0;
	_ =	sdelay $0x3  }
0x9f: {  	[tilespmem:s13+$0xA400] =	vst v1  }
0xa0: {  	v1 =	vld.idx.msk [tilespmem:v2+s2+$0x0], $0xffff;
	_ =	sdelay $0x1  }
0xa1: {  	v2 =	vadd.s32 $0x2100, v0;
	_ =	sdelay $0x3  }
0xa2: {  	[tilespmem:s13+$0xA480] =	vst v1  }
0xa3: {  	v1 =	vld.idx.msk [tilespmem:v2+s2+$0x0], $0xffff;
	_ =	sdelay $0x1  }
0xa4: {  	v2 =	vadd.s32 $0x2180, v0;
	_ =	sdelay $0x3  }
0xa5: {  	[tilespmem:s13+$0xA500] =	vst v1  }
0xa6: {  	v1 =	vld.idx.msk [tilespmem:v2+s2+$0x0], $0xffff;
	_ =	sdelay $0x1  }
0xa7: {  	v2 =	vadd.s32 $0x2200, v0;
	_ =	sdelay $0x3  }
0xa8: {  	[tilespmem:s13+$0xA580] =	vst v1  }
0xa9: {  	v1 =	vld.idx.msk [tilespmem:v2+s2+$0x0], $0xffff;
	_ =	sdelay $0x1  }
0xaa: {  	v2 =	vadd.s32 $0x2280, v0;
	_ =	sdelay $0x3  }
0xab: {  	[tilespmem:s13+$0xA600] =	vst v1  }
0xac: {  	v1 =	vld.idx.msk [tilespmem:v2+s2+$0x0], $0xffff;
	_ =	sdelay $0x1  }
0xad: {  	v2 =	vadd.s32 $0x2300, v0;
	_ =	sdelay $0x3  }
0xae: {  	[tilespmem:s13+$0xA680] =	vst v1  }
0xaf: {  	v1 =	vld.idx.msk [tilespmem:v2+s2+$0x0], $0xffff;
	_ =	sdelay $0x1  }
0xb0: {  	v2 =	vadd.s32 $0x2380, v0;
	_ =	sdelay $0x3  }
0xb1: {  	[tilespmem:s13+$0xA700] =	vst v1  }
0xb2: {  	v1 =	vld.idx.msk [tilespmem:v2+s2+$0x0], $0xffff;
	_ =	sdelay $0x1  }
0xb3: {  	v2 =	vadd.s32 $0x4000, v0;
	_ =	sdelay $0x3  }
0xb4: {  	[tilespmem:s13+$0xA780] =	vst v1  }
0xb5: {  	v1 =	vld.idx.msk [tilespmem:v2+s2+$0x0], $0xffff;
	_ =	sdelay $0x1  }
0xb6: {  	v2 =	vadd.s32 $0x4080, v0;
	_ =	sdelay $0x3  }
0xb7: {  	[tilespmem:s13+$0xC400] =	vst v1  }
0xb8: {  	v1 =	vld.idx.msk [tilespmem:v2+s2+$0x0], $0xffff;
	_ =	sdelay $0x1  }
0xb9: {  	v2 =	vadd.s32 $0x4100, v0;
	_ =	sdelay $0x3  }
0xba: {  	[tilespmem:s13+$0xC480] =	vst v1  }
0xbb: {  	v1 =	vld.idx.msk [tilespmem:v2+s2+$0x0], $0xffff;
	_ =	sdelay $0x1  }
0xbc: {  	v2 =	vadd.s32 $0x4180, v0;
	_ =	sdelay $0x3  }
0xbd: {  	[tilespmem:s13+$0xC500] =	vst v1  }
0xbe: {  	v1 =	vld.idx.msk [tilespmem:v2+s2+$0x0], $0xffff;
	_ =	sdelay $0x1  }
0xbf: {  	v2 =	vadd.s32 $0x4200, v0;
	_ =	sdelay $0x3  }
0xc0: {  	[tilespmem:s13+$0xC580] =	vst v1  }
0xc1: {  	v1 =	vld.idx.msk [tilespmem:v2+s2+$0x0], $0xffff;
	_ =	sdelay $0x1  }
0xc2: {  	v2 =	vadd.s32 $0x4280, v0;
	_ =	sdelay $0x3  }
0xc3: {  	[tilespmem:s13+$0xC600] =	vst v1  }
0xc4: {  	v1 =	vld.idx.msk [tilespmem:v2+s2+$0x0], $0xffff;
	_ =	sdelay $0x1  }
0xc5: {  	v2 =	vadd.s32 $0x4300, v0;
	_ =	sdelay $0x3  }
0xc6: {  	[tilespmem:s13+$0xC680] =	vst v1  }
0xc7: {  	v1 =	vld.idx.msk [tilespmem:v2+s2+$0x0], $0xffff;
	_ =	sdelay $0x1  }
0xc8: {  	v2 =	vadd.s32 $0x4380, v0;
	_ =	sdelay $0x3  }
0xc9: {  	[tilespmem:s13+$0xC700] =	vst v1  }
0xca: {  	v1 =	vld.idx.msk [tilespmem:v2+s2+$0x0], $0xffff;
	_ =	sdelay $0x1  }
0xcb: {  	v2 =	vadd.s32 $0x6000, v0;
	_ =	sdelay $0x3  }
0xcc: {  	[tilespmem:s13+$0xC780] =	vst v1  }
0xcd: {  	v1 =	vld.idx.msk [tilespmem:v2+s2+$0x0], $0xffff;
	_ =	sdelay $0x1  }
0xce: {  	v2 =	vadd.s32 $0x6080, v0;
	_ =	sdelay $0x3  }
0xcf: {  	[tilespmem:s13+$0xE400] =	vst v1  }
0xd0: {  	v1 =	vld.idx.msk [tilespmem:v2+s2+$0x0], $0xffff;
	_ =	sdelay $0x1  }
0xd1: {  	v2 =	vadd.s32 $0x6100, v0;
	_ =	sdelay $0x3  }
0xd2: {  	[tilespmem:s13+$0xE480] =	vst v1  }
0xd3: {  	v1 =	vld.idx.msk [tilespmem:v2+s2+$0x0], $0xffff;
	_ =	sdelay $0x1  }
0xd4: {  	v2 =	vadd.s32 $0x6180, v0;
	_ =	sdelay $0x3  }
0xd5: {  	[tilespmem:s13+$0xE500] =	vst v1  }
0xd6: {  	v1 =	vld.idx.msk [tilespmem:v2+s2+$0x0], $0xffff;
	_ =	sdelay $0x1  }
0xd7: {  	v2 =	vadd.s32 $0x6200, v0;
	_ =	sdelay $0x3  }
0xd8: {  	[tilespmem:s13+$0xE580] =	vst v1  }
0xd9: {  	v1 =	vld.idx.msk [tilespmem:v2+s2+$0x0], $0xffff;
	_ =	sdelay $0x1  }
0xda: {  	v2 =	vadd.s32 $0x6280, v0;
	_ =	sdelay $0x3  }
0xdb: {  	[tilespmem:s13+$0xE600] =	vst v1  }
0xdc: {  	v1 =	vld.idx.msk [tilespmem:v2+s2+$0x0], $0xffff;
	_ =	sdelay $0x1  }
0xdd: {  	v2 =	vadd.s32 $0x6300, v0;
	_ =	sdelay $0x3  }
0xde: {  	[tilespmem:s13+$0xE680] =	vst v1  }
0xdf: {  	v1 =	vld.idx.msk [tilespmem:v2+s2+$0x0], $0xffff;
	_ =	sdelay $0x1  }
0xe0: {  	v0 =	vadd.s32 $0x6380, v0  }
.Ltmp0:
0xe1: {  	(pc) =	sbr.rel @p0 .LBB2_2-.Ltmp0, $3  }
0xe2: {  	_ =	sdelay $0x1  }
0xe3: {  	[tilespmem:s13+$0xE700] =	vst v1  }
0xe4: {  	v0 =	vld.idx.msk [tilespmem:v0+s2+$0x0], $0xffff  }
0xe5: {  	_ =	sdelay $0x1  }
0xe6: {  	s11 =	sadd.s32 $0x1, s11  }
0xe7: {  	p0 =	sne.s32 s11, s6  }
.Ltmp1:
0xe8: {  	[tilespmem:s13+$0xE780] =	vst v0;
	(pc) =	sbr.rel @p0 .LBB2_1-.Ltmp1, $4  }
0xe9: {  	[hbm4b:s5+s2] =	stream.linear.scatter [tilespmem:s10], [sflag:$0x1], $0x8000, $0x38;
	[tilespmem:$0x10400] =	vst v63  }
0xea: {  	_ =	swait.ge [sflag:s7], $0x8000  }
0xeb: {  	[sflag:s7] =	ssyncset.done $0x0  }
0xec: {  	[sflag:s7] =	ssyncadd.s32 $0xFFFF8000  }
0xed: {  	_ =	sfence.sel $0x180000  }
0xee: {  	[bflag:$0x0] =	sbarrier.arrive $0xFFFF  }
0xef: {  	p0 =	sne.s32 s1, $0x0;
	_ =	strace $0x90000047  }
0xf0: {  	s0 =	sadd.s32 @!p0 $0x100000, s0;
	[bflag:$0x2] =	sbarrier.arrive $0xFFFF  }
0xf1: {  	[sflag:s0] =	ssyncadd.tile.s32 @!p0 $0x1;
	_ =	shalt  }
.Lfunc_end2:
_tile_overlayer_lowered:
.L_overlay_start_2:
0xf2: {  	(tag) =	ssettag $0x2  }
0xf3: {  	s0 =	rddreg [dreg:$0x0];
	s2 =	stileid.u32  }
0xf4: {  	s1 =	rddreg [dreg:$0x1];
	p0 =	sne.s32 s2, $0x0  }
0xf5: {  	s3 =	rddreg [dreg:$0x2];
	[bflag:$0x3] =	sbarrier.arrive $0xFFFF;
	s2 =	simm.s32 @!p0 $0x1C01  }
0xf6: {  	[timem:s3], [sflag:s2] =	dma.local @!p0 [hbm:s0], s1  }
0xf7: {  	s0 =	simm.s32 @!p0 $0x1  }
0xf8: {  	_ =	swait.ge @!p0 [sflag:s0], s1  }
0xf9: {  	s1 =	ssub.s32 @!p0 $0x0, s1;
	[sflag:s0] =	ssyncset.done @!p0 $0x0  }
0xfa: {  	[sflag:s0] =	ssyncadd.s32 @!p0 s1  }
0xfb: {  	[bflag:$0x3] =	sbarrier.arrive $0xFFFF  }
0xfc: {  	_ =	shalt  }

// kernel: kernel.9.cloned.1.call-start
scs
__scs_entry_jumppad:
0x0: {  	(pc) =	sbr.rel $0x88, $3  }
0x1: {  	(tag) =	ssettag $0x0;
	lr =	simm.s32 $0x1  }
0x2: {  	[smem:$0x3F9D] =	sst lr;
	_ =	strace $0xD0000000  }
0x3: {  	_ = 	snop  }
0x4: {  	_ = 	snop  }
0x5: {  	_ = 	snop  }
0x6: {  	_ = 	snop  }
0x7: {  	_ = 	snop  }
__scs_overlays_trampoline_lowered:
0x8: {  	[smem:$0x3FAC] =	sst s0  }
0x9: {  	[smem:$0x3FAD] =	sst s1  }
0xa: {  	[smem:$0x3FAE] =	sst s2  }
0xb: {  	[smem:$0x3FAF] =	sst s3  }
0xc: {  	[smem:$0x3FB0] =	sst s4  }
0xd: {  	[smem:$0x3FB1] =	sst s5  }
0xe: {  	[smem:$0x3FB2] =	sst s6  }
0xf: {  	[smem:$0x3FB3] =	sst s7  }
0x10: {  	[smem:$0x3FB4] =	sst s8  }
0x11: {  	[smem:$0x3FB5] =	sst s9;
	s0 =	simm.s32 @!p0 $0x0  }
0x12: {  	s1 =	sld [smem:$0x3F9B];
	s0 =	simm.s32 @p0 $0x1  }
0x13: {  	[smem:$0x3FB6] =	sst s0;
	s0 =	simm.s32 @!p1 $0x0  }
0x14: {  	s2 =	sld [smem:$0x3F9A];
	s0 =	simm.s32 @p1 $0x1  }
0x15: {  	[smem:$0x3FB7] =	sst s0;
	s0 =	simm.s32 @!p2 $0x0  }
0x16: {  	s3 =	sld [smem:$0x3FDB];
	s0 =	simm.s32 @p2 $0x1  }
0x17: {  	s4 =	simm.s32 $0x1BF5;
	[smem:$0x3FB9] =	sst s0  }
0x18: {  	s0 =	sld [smem:$0x3F9C];
	_ =	swait.ge [sflag:s4], $0x0  }
0x19: {  	s7 =	sld [smem:$0x3F9D]  }
0x1a: {  	s8 =	sadd.s32 $0xFFFFE003, lr  }
0x1b: {  	s9 =	sadd.s32 $0xFFFFFEF7, lr;
	s5 =	simm.s32 $0xFFFFFFFF;
	p2 =	slt.u32 s8, $0xFFFFF086  }
0x1c: {  	p1 =	slt.u32 s9, $0xF7A;
	s5 =	simm.s32 @!p2 $0x0  }
0x1d: {  	s5 =	simm.s32 @p1 $0x1;
	p0 =	seq.s32 s7, s2  }
0x1e: {  	s7 =	smul.u32 @!p0 $0xF7A, s2;
	p2 =	seq.s32 @!p0 s5, $0x0  }
0x1f: {  	s9 =	smul.u32 $0xF7A, s1;
	s8 =	simm.s32 @!p0 $0x1BF5;
	p2 =	por !p2, p0  }
0x20: {  	[sflag:s8] =	ssyncset.s32 @!p0 $0xFFFFF086;
	s6 =	sadd.s32 @!p0 s3, s7;
	s7 =	simm.s32 @!p0 $0x108  }
0x21: {  	s3 =	sadd.s32 s3, s9;
	s6 =	sadd.s32 @!p0 $0x88, s6;
	s7 =	simm.s32 @p2 $0x1082  }
0x22: {  	[simem:s7], [sflag:s8] =	dma.local @!p0 [hbm:s6], $0xF7A  }
0x23: {  	s9 =	sor.u32 $0xD0000000, s2;
	s6 =	simm.s32 $0x108;
	_ =	swait.ge @!p0 [sflag:s8], $0x0  }
0x24: {  	s3 =	sadd.s32 $0x88, s3;
	s6 =	simm.s32 @!p1 $0x1082;
	[sflag:s4] =	ssyncset.s32 $0xFFFFF086  }
0x25: {  	[simem:s6], [sflag:s4] =	dma.local [hbm:s3], $0xF7A  }
0x26: {  	[smem:$0x3F9D] =	sst s1;
	(tag) =	ssettag s2;
	_ =	strace s9  }
0x27: {  	s1 =	sld [smem:$0x3FAD]  }
0x28: {  	s2 =	sld [smem:$0x3FAE]  }
0x29: {  	s4 =	sld [smem:$0x3FB0]  }
0x2a: {  	p0 =	seq.s32 s5, $0x0;
	s5 =	sld [smem:$0x3FB1]  }
0x2b: {  	s6 =	sld [smem:$0x3FB2]  }
0x2c: {  	s7 =	sld [smem:$0x3FB3]  }
0x2d: {  	s3 =	simm.s32 $0x108;
	s8 =	sld [smem:$0x3FB4]  }
0x2e: {  	s3 =	simm.s32 @!p0 $0x1082;
	s9 =	sld [smem:$0x3FB5]  }
0x2f: {  	lr =	sadd.s32 s0, s3;
	s0 =	sld [smem:$0x3FAC]  }
0x30: {  	s3 =	sld [smem:$0x3FAF]  }
0x31: {  	[smem:$0x3FB8] =	sst s10  }
0x32: {  	s10 =	sld [smem:$0x3FB6];
	_ =	sdelay $0x3  }
0x33: {  	p0 =	seq.s32 s10, $0x1;
	s10 =	sld [smem:$0x3FB8];
	_ =	sdelay $0x3  }
0x34: {  	[smem:$0x3FB8] =	sst s10  }
0x35: {  	s10 =	sld [smem:$0x3FB7];
	_ =	sdelay $0x3  }
0x36: {  	p1 =	seq.s32 s10, $0x1;
	s10 =	sld [smem:$0x3FB8];
	_ =	sdelay $0x3  }
0x37: {  	[smem:$0x3FB8] =	sst s10  }
0x38: {  	s10 =	sld [smem:$0x3FB9]  }
0x39: {  	_ = 	snop;
	(pc) =	sbr.ind lr, $3  }
0x3a: {  	_ = 	snop  }
0x3b: {  	_ = 	snop  }
0x3c: {  	p2 =	seq.s32 s10, $0x1;
	s10 =	sld [smem:$0x3FB8]  }
0x3d: {  	_ =	shalt  }
0x3e: {  	_ =	shalt  }
0x3f: {  	_ =	shalt  }
0x40: {  	_ =	shalt  }
0x41: {  	_ =	shalt  }
0x42: {  	_ =	shalt  }
0x43: {  	_ =	shalt  }
0x44: {  	_ =	shalt  }
0x45: {  	_ =	shalt  }
0x46: {  	_ =	shalt  }
0x47: {  	_ =	shalt  }
0x48: {  	_ =	shalt  }
0x49: {  	_ =	shalt  }
0x4a: {  	_ =	shalt  }
0x4b: {  	_ =	shalt  }
0x4c: {  	_ =	shalt  }
0x4d: {  	_ =	shalt  }
0x4e: {  	_ =	shalt  }
0x4f: {  	_ =	shalt  }
0x50: {  	_ =	shalt  }
0x51: {  	_ =	shalt  }
0x52: {  	_ =	shalt  }
0x53: {  	_ =	shalt  }
0x54: {  	_ =	shalt  }
0x55: {  	_ =	shalt  }
0x56: {  	_ =	shalt  }
0x57: {  	_ =	shalt  }
0x58: {  	_ =	shalt  }
0x59: {  	_ =	shalt  }
0x5a: {  	_ =	shalt  }
0x5b: {  	_ =	shalt  }
0x5c: {  	_ =	shalt  }
0x5d: {  	_ =	shalt  }
0x5e: {  	_ =	shalt  }
0x5f: {  	_ =	shalt  }
0x60: {  	_ =	shalt  }
0x61: {  	_ =	shalt  }
0x62: {  	_ =	shalt  }
0x63: {  	_ =	shalt  }
0x64: {  	_ =	shalt  }
0x65: {  	_ =	shalt  }
0x66: {  	_ =	shalt  }
0x67: {  	_ =	shalt  }
0x68: {  	_ =	shalt  }
0x69: {  	_ =	shalt  }
0x6a: {  	_ =	shalt  }
0x6b: {  	_ =	shalt  }
0x6c: {  	_ =	shalt  }
0x6d: {  	_ =	shalt  }
0x6e: {  	_ =	shalt  }
0x6f: {  	_ =	shalt  }
0x70: {  	_ =	shalt  }
0x71: {  	_ =	shalt  }
0x72: {  	_ =	shalt  }
0x73: {  	_ =	shalt  }
0x74: {  	_ =	shalt  }
0x75: {  	_ =	shalt  }
0x76: {  	_ =	shalt  }
0x77: {  	_ =	shalt  }
0x78: {  	_ =	shalt  }
0x79: {  	_ =	shalt  }
0x7a: {  	_ =	shalt  }
0x7b: {  	_ =	shalt  }
0x7c: {  	_ =	shalt  }
0x7d: {  	_ =	shalt  }
0x7e: {  	_ =	shalt  }
0x7f: {  	_ =	shalt  }
0x80: {  	_ =	shalt  }
0x81: {  	_ =	shalt  }
0x82: {  	_ =	shalt  }
0x83: {  	_ =	shalt  }
0x84: {  	_ =	shalt  }
0x85: {  	_ =	shalt  }
0x86: {  	_ =	shalt  }
0x87: {  	_ =	shalt  }
.Lfunc_end0:
.L_simem_size_0:
called_computation.1_lowered:
.L_overlay_start_0:
0x88: {  	s2 =	sld [smem:$0x3FD9]  }
0x89: {  	s3 =	sld [smem:$0x3FFE];
	_ =	sdelay $0x1  }
0x8a: {  	s1 =	srdreg.scid  }
0x8b: {  	s0 =	sand.u32 $0x1, s1  }
0x8c: {  	s17 =	sshll.u32 s0, $0xA;
	s2 =	sadd.s32 s3, s2  }
0x8d: {  	s2 =	sadd.s32 s2, s17  }
0x8e: {  	[smem:$0x3FC4] =	sst s2  }
0x8f: {  	_ = 	snop  }
0x90: {  	s18 =	sld [smem:$0x3FC9];
	(tm) =	ssettm $0x1  }
0x91: {  	s19 =	sld [smem:$0x3FFB];
	_ =	sdelay $0x3  }
0x92: {  	_ =	strace s19  }
0x93: {  	s2 =	sld [smem:$0x3FFC];
	_ =	sdelay $0x3  }
0x94: {  	_ =	strace s2  }
0x95: {  	s2 =	sld [smem:$0x3FFD];
	_ =	sdelay $0x3  }
0x96: {  	_ =	strace s2  }
0x97: {  	_ =	strace $0x8FFFFFFF  }
0x98: {  	s20 =	sld [smem:$0x3FDB];
	_ =	sdelay $0x1  }
0x99: {  	s4 =	simm.s32 $_scs_section_size  }
0x9a: {  	s5 =	simm.s32 $_size__tile_overlayer_lowered;
	s6 =	simm.s32 $_tile_overlayer_lowered  }
0x9b: {  	s7 =	simm.s32 $0x1BFF;
	s21 =	sshll.u32 s6, $0x1;
	s4 =	sadd.s32 s4, s20  }
0x9c: {  	s22 =	simm.s32 $0x0;
	s5 =	sshll.u32 s5, $0x1;
	s6 =	sadd.s32 s21, s4  }
0x9d: {  	[timem:s22], [sflag:s7] =	dma.local [hbm:s6], s5  }
0x9e: {  	_ =	swait.ge [sflag:s7], s5  }
0x9f: {  	s5 =	ssub.s32 $0x0, s5;
	[sflag:s7] =	ssyncset.done $0x0  }
0xa0: {  	[sflag:s7] =	ssyncadd.s32 s5;
	_ =	sdelay $0x1  }
0xa1: {  	s23 =	simm.s32 $0x1B8B  }
0xa2: {  	_ =	swait.ge [sflag:s23], $0x1  }
0xa3: {  	[sflag:s23] =	ssyncset.done $0x0  }
0xa4: {  	[sflag:s23] =	ssyncadd.s32 $0xFFFFFFFF  }
0xa5: {  	s5 =	sld [smem:$0x0]  }
0xa6: {  	s6 =	sand.u32 $0xFFFFFFFE, s1  }
0xa7: {  	p0 =	sne.s32 s1, s6  }
0xa8: {  	s6 =	sshll.u32 @p0 s6, $0xE  }
0xa9: {  	s6 =	sadd.s32 @p0 $0x11B8D, s6;
	s7 =	sshll.u32 @p0 s5, $0x11  }
0xaa: {  	s6 =	sor.u32 @p0 s7, s6  }
0xab: {  	[sflag:s6] =	ssyncadd.remote.s32 @p0 $0x1;
	_ =	sdelay $0x1  }
0xac: {  	s6 =	simm.s32 @p0 $0x1B8D  }
0xad: {  	_ =	swait.eq @p0 [sflag:s6], $0x1  }
0xae: {  	[sflag:s6] =	ssyncadd.s32 @p0 $0xFFFFFFFF  }
0xaf: {  	s7 =	sshll.u32 @!p0 s1, $0xE  }
0xb0: {  	s7 =	sor.u32 @!p0 $0x4000, s7;
	s6 =	simm.s32 @!p0 $0x1B8D  }
0xb1: {  	s5 =	sshll.u32 @!p0 s5, $0x11;
	s7 =	sadd.s32 @!p0 $0x11B8D, s7;
	_ =	swait.eq @!p0 [sflag:s6], $0x1  }
0xb2: {  	s5 =	sor.u32 @!p0 s5, s7;
	[sflag:s6] =	ssyncadd.s32 @!p0 $0xFFFFFFFF  }
0xb3: {  	s25 =	simm.s32 $0x1B8E;
	s24 =	sld [smem:$0x3FFE];
	[sflag:s5] =	ssyncadd.remote.s32 @!p0 $0x1  }
0xb4: {  	s26 =	simm.s32 $execute0_lowered;
	[smem:$0x3FD2] =	sst s25  }
0xb5: {  	s6 =	sshll.u32 s26, $0x1;
	_ =	strace $0x80000049;
	[dreg:$0x1] =	wrdreg $0xFFFFFFFF  }
0xb6: {  	s28 =	simm.s32 $_size_execute0_lowered;
	s4 =	sadd.s32 s4, s6;
	[dreg:$0x0] =	wrdreg $0x0  }
0xb7: {  	s6 =	sshll.u32 s28, $0x1;
	[dreg:$0x2] =	wrdreg s4  }
0xb8: {  	[dreg:$0x3] =	wrdreg s6  }
0xb9: {  	[dreg:$0x4] =	wrdreg $0xC0  }
0xba: {  	_ =	task [dreg:s22], $0x5FFFF  }
0xbb: {  	[dreg:$0x1] =	wrdreg $0xFFFFFFFF  }
0xbc: {  	[dreg:$0x0] =	wrdreg $0x60  }
0xbd: {  	[dreg:$0x2] =	wrdreg s24  }
0xbe: {  	[dreg:$0x3] =	wrdreg s18  }
0xbf: {  	[dreg:$0x4] =	wrdreg $0xA  }
0xc0: {  	_ =	task.clear_ibuf [dreg:s22], $0x5FFFF;
	_ =	strace $0x90000049  }
0xc1: {  	s29 =	simm.s32 $0xA;
	_ =	strace $0x8000004B  }
0xc2: {  	_ =	swait.ge [sflag:s29], $0x1  }
0xc3: {  	[sflag:s29] =	ssyncadd.s32 $0xFFFFFFFF  }
0xc4: {  	_ =	strace $0x9000004B  }
0xc5: {  	_ =	sfence  }
0xc6: {  	s30 =	sld [smem:$0x0];
	_ =	sdelay $0x2  }
0xc7: {  	s31 =	sshll.u32 s1, $0xD;
	s1 =	sshrl.u32 s1, $0x2  }
0xc8: {  	s4 =	sand.u32 $0x4000, s31;
	s1 =	sadd.s32 s1, s30  }
0xc9: {  	s0 =	sor.u32 s4, s0;
	s1 =	sshll.u32 s1, $0x11  }
0xca: {  	s0 =	sor.u32 s1, s0  }
0xcb: {  	s0 =	sadd.s32 $0x8F2B, s0  }
0xcc: {  	[sflag:s0] =	ssyncadd.remote.s32 $0x1  }
0xcd: {  	_ =	sfence.sel $0xFFFF  }
0xce: {  	[dreg:$0x0] =	wrdreg $0xFFFFFFFF;
	(pc) =	sbr.abs _section_cstart, $3  }
0xcf: {  	[dreg:$0x1] =	wrdreg $0xFFFFFFFF  }
0xd0: {  	_ =	task.clear_ibuf [dreg:s22], $0x2FFFF;
	_ =	strace $0x9FFFFFFF  }
0xd1: {  	(tm) =	ssettm $0x7FFFFFFF  }
tec
execute0_lowered:
.L_overlay_start_1:
0x0: {  	(tag) =	ssettag $0x1  }
0x1: {  	s4 =	rddreg [dreg:$0x0]  }
0x2: {  	s5 =	rddreg [dreg:$0x1]  }
0x3: {  	s0 =	rddreg [dreg:$0x2]  }
0x4: {  	s3 =	srdreg.scid;
	s1 =	stileid.u32  }
0x5: {  	s2 =	simm.s32 $0x0;
	s10 =	simm.s32 $0x8400;
	s11 =	simm.s32 $0x0  }
0x6: {  	s6 =	sand.u32 $0x1, s3;
	s29 =	sshll.u32 s1, $0x1;
	[smem:$0x7FF] =	sst s2  }
0x7: {  	s8 =	sshll.u32 s1, $0x8;
	s3 =	sadd.s32 $0xC00, s4;
	p0 =	sgt.u32 s1, $0x8  }
0x8: {  	s7 =	sor.u32 s6, s29;
	_ =	strace $0x8000004A;
	s6 =	ssub.s32 $0x2, s6  }
.Ltmp0:
0x9: {  	s9 =	sshll.u32 s7, $0x4;
	s7 =	sshll.u32 s7, $0xC;
	(pc) =	sbr.rel .LBB2_1-.Ltmp0, $4  }
0xa: {  	s30 =	sshrl.u32 s6, $0x1;
	s8 =	sor.u32 s9, s8;
	s7 =	sadd.s32 s7, s4  }
0xb: {  	s6 =	ssub.s32 s6, s30;
	s9 =	simm.s32 $0x400;
	s8 =	sand.u32 $0xC70, s8  }
0xc: {  	s6 =	smax.u32 s6, $0x1;
	s31 =	sadd.s32 s8, s5;
	s5 =	sadd.s32 $0x1C00, s7  }
0xd: {  	s7 =	simm.s32 $0x1;
	s8 =	simm.s32 $0x80;
	s4 =	sadd.s32 $0x1000, s31  }
.LBB2_4:
0xe: {  	[tilespmem:s14+$0xE780] =	vst v0  }
0xf: {  	[hbm4b:s5+s2] =	stream.linear.scatter [tilespmem:s10], [sflag:$0x1], $0x8000, $0x38;
	[tilespmem:$0x10400] =	vst v63  }
0x10: {  	_ =	swait.ge [sflag:s7], $0x8000  }
0x11: {  	[sflag:s7] =	ssyncset.done $0x0  }
0x12: {  	[sflag:s7] =	ssyncadd.s32 $0xFFFF8000  }
.LBB2_5:
0x13: {  	s11 =	sadd.s32 $0x1, s11  }
0x14: {  	p1 =	sne.s32 s11, s6  }
.Ltmp1:
0x15: {  	_ = 	snop;
	(pc) =	sbr.rel @!p1 .LBB2_6-.Ltmp1, $1  }
0x16: {  	_ =	sdelay $0x3  }
.LBB2_1:
.Ltmp2:
0x17: {  	(pc) =	sbr.rel @p0 .LBB2_5-.Ltmp2, $4  }
0x18: {  	[tilespmem:s2], [sflag:$0x1] =	stream.linear.gather [hbm4b:s3+s2], $0x8000, $0x38;
	[tilespmem:$0x10400] =	vst v63  }
0x19: {  	_ =	swait.ge [sflag:s7], $0x8000  }
0x1a: {  	[sflag:s7] =	ssyncset.done $0x0  }
0x1b: {  	[sflag:s7] =	ssyncadd.s32 $0xFFFF8000  }
0x1c: {  	s12 =	simm.s32 $0x8000  }
0x1d: {  	[tilespmem:s12], [sflag:$0x1] =	stream.strided.gather [hbm4b:s4+s8], $0x400, s9, s8, $0x38;
	[tilespmem:$0x10400] =	vst v63  }
0x1e: {  	_ =	swait.ge [sflag:s7], $0x400  }
0x1f: {  	[sflag:s7] =	ssyncset.done $0x0  }
0x20: {  	[sflag:s7] =	ssyncadd.s32 $0xFFFFFC00  }
0x21: {  	v0 =	vld [tilespmem:s12+$0x0];
	_ =	sdelay $0x4  }
0x22: {  	v1 =	vshll.u32 v0, $0x3  }
0x23: {  	v0 =	vand.u32 $0x7F, v0;
	v1 =	vand.u32 $0xFFFFFC00, v1  }
0x24: {  	v0 =	vor.u32 v0, v1;
	_ =	sdelay $0x4  }
0x25: {  	v1 =	vld.idx.msk [tilespmem:v0+s2+$0x0], $0xffff  }
0x26: {  	v2 =	vor.u32 $0x80, v0  }
0x27: {  	s13 =	simm.s32 $0x0  }
0x28: {  	s14 =	sand.u32 $0x70, s13;
	s15 =	sand.u32 $0x1C00, s13  }
0x29: {  	s14 =	sor.u32 s14, s15  }
0x2a: {  	[tilespmem:s14+$0x8400] =	vst v1  }
0x2b: {  	v1 =	vld.idx.msk [tilespmem:v2+s2+$0x0], $0xffff  }
0x2c: {  	v2 =	vor.u32 $0x100, v0;
	_ =	sdelay $0x3  }
0x2d: {  	[tilespmem:s14+$0x8480] =	vst v1  }
0x2e: {  	v1 =	vld.idx.msk [tilespmem:v2+s2+$0x0], $0xffff  }
0x2f: {  	v2 =	vor.u32 $0x180, v0;
	_ =	sdelay $0x3  }
0x30: {  	[tilespmem:s14+$0x8500] =	vst v1  }
0x31: {  	v1 =	vld.idx.msk [tilespmem:v2+s2+$0x0], $0xffff  }
0x32: {  	v2 =	vor.u32 $0x200, v0;
	_ =	sdelay $0x3  }
0x33: {  	[tilespmem:s14+$0x8580] =	vst v1  }
0x34: {  	v1 =	vld.idx.msk [tilespmem:v2+s2+$0x0], $0xffff  }
0x35: {  	v2 =	vor.u32 $0x280, v0;
	_ =	sdelay $0x3  }
0x36: {  	[tilespmem:s14+$0x8600] =	vst v1  }
0x37: {  	v1 =	vld.idx.msk [tilespmem:v2+s2+$0x0], $0xffff  }
0x38: {  	v2 =	vor.u32 $0x300, v0;
	_ =	sdelay $0x3  }
0x39: {  	[tilespmem:s14+$0x8680] =	vst v1  }
0x3a: {  	v1 =	vld.idx.msk [tilespmem:v2+s2+$0x0], $0xffff  }
0x3b: {  	v2 =	vor.u32 $0x380, v0;
	_ =	sdelay $0x3  }
0x3c: {  	[tilespmem:s14+$0x8700] =	vst v1  }
0x3d: {  	v1 =	vld.idx.msk [tilespmem:v2+s2+$0x0], $0xffff  }
0x3e: {  	v2 =	vadd.s32 $0x2000, v0;
	_ =	sdelay $0x1  }
0x3f: {  	s31 =	sor.u32 s13, s13  }
0x40: {  	s15 =	sor.u32 $0x380, s31  }
0x41: {  	[tilespmem:s15+$0x8400] =	vst v1  }
0x42: {  	v1 =	vld.idx.msk [tilespmem:v2+s2+$0x0], $0xffff  }
0x43: {  	v2 =	vadd.s32 $0x2080, v0;
	_ =	sdelay $0x3  }
0x44: {  	[tilespmem:s14+$0xA400] =	vst v1  }
0x45: {  	v1 =	vld.idx.msk [tilespmem:v2+s2+$0x0], $0xffff  }
0x46: {  	v2 =	vadd.s32 $0x2100, v0;
	_ =	sdelay $0x3  }
0x47: {  	[tilespmem:s14+$0xA480] =	vst v1  }
0x48: {  	v1 =	vld.idx.msk [tilespmem:v2+s2+$0x0], $0xffff  }
0x49: {  	v2 =	vadd.s32 $0x2180, v0;
	_ =	sdelay $0x3  }
0x4a: {  	[tilespmem:s14+$0xA500] =	vst v1  }
0x4b: {  	v1 =	vld.idx.msk [tilespmem:v2+s2+$0x0], $0xffff  }
0x4c: {  	v2 =	vadd.s32 $0x2200, v0;
	_ =	sdelay $0x3  }
0x4d: {  	[tilespmem:s14+$0xA580] =	vst v1  }
0x4e: {  	v1 =	vld.idx.msk [tilespmem:v2+s2+$0x0], $0xffff  }
0x4f: {  	v2 =	vadd.s32 $0x2280, v0;
	_ =	sdelay $0x3  }
0x50: {  	[tilespmem:s14+$0xA600] =	vst v1  }
0x51: {  	v1 =	vld.idx.msk [tilespmem:v2+s2+$0x0], $0xffff  }
0x52: {  	v2 =	vadd.s32 $0x2300, v0;
	_ =	sdelay $0x3  }
0x53: {  	[tilespmem:s14+$0xA680] =	vst v1  }
0x54: {  	v1 =	vld.idx.msk [tilespmem:v2+s2+$0x0], $0xffff  }
0x55: {  	v2 =	vadd.s32 $0x2380, v0;
	_ =	sdelay $0x3  }
0x56: {  	[tilespmem:s14+$0xA700] =	vst v1  }
0x57: {  	v1 =	vld.idx.msk [tilespmem:v2+s2+$0x0], $0xffff  }
0x58: {  	v2 =	vadd.s32 $0x4000, v0;
	_ =	sdelay $0x3  }
0x59: {  	[tilespmem:s14+$0xA780] =	vst v1  }
0x5a: {  	v1 =	vld.idx.msk [tilespmem:v2+s2+$0x0], $0xffff  }
0x5b: {  	v2 =	vadd.s32 $0x4080, v0;
	_ =	sdelay $0x3  }
0x5c: {  	[tilespmem:s14+$0xC400] =	vst v1  }
0x5d: {  	v1 =	vld.idx.msk [tilespmem:v2+s2+$0x0], $0xffff  }
0x5e: {  	v2 =	vadd.s32 $0x4100, v0;
	_ =	sdelay $0x3  }
0x5f: {  	[tilespmem:s14+$0xC480] =	vst v1  }
0x60: {  	v1 =	vld.idx.msk [tilespmem:v2+s2+$0x0], $0xffff  }
0x61: {  	v2 =	vadd.s32 $0x4180, v0;
	_ =	sdelay $0x3  }
0x62: {  	[tilespmem:s14+$0xC500] =	vst v1  }
0x63: {  	v1 =	vld.idx.msk [tilespmem:v2+s2+$0x0], $0xffff  }
0x64: {  	v2 =	vadd.s32 $0x4200, v0;
	_ =	sdelay $0x3  }
0x65: {  	[tilespmem:s14+$0xC580] =	vst v1  }
0x66: {  	v1 =	vld.idx.msk [tilespmem:v2+s2+$0x0], $0xffff  }
0x67: {  	v2 =	vadd.s32 $0x4280, v0;
	_ =	sdelay $0x3  }
0x68: {  	[tilespmem:s14+$0xC600] =	vst v1  }
0x69: {  	v1 =	vld.idx.msk [tilespmem:v2+s2+$0x0], $0xffff  }
0x6a: {  	v2 =	vadd.s32 $0x4300, v0;
	_ =	sdelay $0x3  }
0x6b: {  	[tilespmem:s14+$0xC680] =	vst v1  }
0x6c: {  	v1 =	vld.idx.msk [tilespmem:v2+s2+$0x0], $0xffff  }
0x6d: {  	v2 =	vadd.s32 $0x4380, v0;
	_ =	sdelay $0x3  }
0x6e: {  	[tilespmem:s14+$0xC700] =	vst v1  }
0x6f: {  	v1 =	vld.idx.msk [tilespmem:v2+s2+$0x0], $0xffff  }
0x70: {  	v2 =	vadd.s32 $0x6000, v0;
	_ =	sdelay $0x3  }
0x71: {  	[tilespmem:s14+$0xC780] =	vst v1  }
0x72: {  	v1 =	vld.idx.msk [tilespmem:v2+s2+$0x0], $0xffff  }
0x73: {  	v2 =	vadd.s32 $0x6080, v0;
	_ =	sdelay $0x3  }
0x74: {  	[tilespmem:s14+$0xE400] =	vst v1  }
0x75: {  	v1 =	vld.idx.msk [tilespmem:v2+s2+$0x0], $0xffff  }
0x76: {  	v2 =	vadd.s32 $0x6100, v0;
	_ =	sdelay $0x3  }
0x77: {  	[tilespmem:s14+$0xE480] =	vst v1  }
0x78: {  	v1 =	vld.idx.msk [tilespmem:v2+s2+$0x0], $0xffff  }
0x79: {  	v2 =	vadd.s32 $0x6180, v0;
	_ =	sdelay $0x3  }
0x7a: {  	[tilespmem:s14+$0xE500] =	vst v1  }
0x7b: {  	v1 =	vld.idx.msk [tilespmem:v2+s2+$0x0], $0xffff  }
0x7c: {  	v2 =	vadd.s32 $0x6200, v0;
	_ =	sdelay $0x3  }
0x7d: {  	[tilespmem:s14+$0xE580] =	vst v1  }
0x7e: {  	v1 =	vld.idx.msk [tilespmem:v2+s2+$0x0], $0xffff  }
0x7f: {  	v2 =	vadd.s32 $0x6280, v0;
	_ =	sdelay $0x3  }
0x80: {  	[tilespmem:s14+$0xE600] =	vst v1  }
0x81: {  	v1 =	vld.idx.msk [tilespmem:v2+s2+$0x0], $0xffff  }
0x82: {  	v2 =	vadd.s32 $0x6300, v0;
	_ =	sdelay $0x3  }
0x83: {  	[tilespmem:s14+$0xE680] =	vst v1  }
0x84: {  	v1 =	vld.idx.msk [tilespmem:v2+s2+$0x0], $0xffff  }
0x85: {  	v0 =	vadd.s32 $0x6380, v0;
	_ =	sdelay $0x3  }
0x86: {  	[tilespmem:s14+$0xE700] =	vst v1  }
0x87: {  	v0 =	vld.idx.msk [tilespmem:v0+s2+$0x0], $0xffff;
	_ =	sdelay $0x3  }
0x88: {  	s15 =	simm.s32 $0x10  }
.LBB2_3:
0x89: {  	p1 =	sne.s32 s15, $0x3F0;
	[tilespmem:s14+$0xE780] =	vst v0;
	s13 =	sadd.s32 $0x80, s13;
	s12 =	sadd.s32 $0x10, s12  }
0x8a: {  	s16 =	smov.u32 s15;
	s15 =	sadd.s32 $0x10, s15;
	v0 =	vld [tilespmem:s12+$0x0];
	_ =	sdelay $0x4  }
0x8b: {  	v1 =	vshll.u32 v0, $0x3  }
0x8c: {  	v0 =	vand.u32 $0x7F, v0;
	v1 =	vand.u32 $0xFFFFFC00, v1  }
0x8d: {  	v0 =	vor.u32 v0, v1;
	_ =	sdelay $0x4  }
0x8e: {  	v1 =	vld.idx.msk [tilespmem:v0+s2+$0x0], $0xffff;
	_ =	sdelay $0x1  }
0x8f: {  	v2 =	vor.u32 $0x80, v0;
	_ =	sdelay $0x1  }
0x90: {  	s14 =	sand.u32 $0x70, s16;
	s17 =	sand.u32 $0x1C00, s13  }
0x91: {  	s14 =	sor.u32 s14, s17  }
0x92: {  	[tilespmem:s14+$0x8400] =	vst v1  }
0x93: {  	v1 =	vld.idx.msk [tilespmem:v2+s2+$0x0], $0xffff;
	_ =	sdelay $0x1  }
0x94: {  	v2 =	vor.u32 $0x100, v0;
	_ =	sdelay $0x3  }
0x95: {  	[tilespmem:s14+$0x8480] =	vst v1  }
0x96: {  	v1 =	vld.idx.msk [tilespmem:v2+s2+$0x0], $0xffff;
	_ =	sdelay $0x1  }
0x97: {  	v2 =	vor.u32 $0x180, v0;
	_ =	sdelay $0x3  }
0x98: {  	[tilespmem:s14+$0x8500] =	vst v1  }
0x99: {  	v1 =	vld.idx.msk [tilespmem:v2+s2+$0x0], $0xffff;
	_ =	sdelay $0x1  }
0x9a: {  	v2 =	vor.u32 $0x200, v0;
	_ =	sdelay $0x3  }
0x9b: {  	[tilespmem:s14+$0x8580] =	vst v1  }
0x9c: {  	v1 =	vld.idx.msk [tilespmem:v2+s2+$0x0], $0xffff;
	_ =	sdelay $0x1  }
0x9d: {  	v2 =	vor.u32 $0x280, v0;
	_ =	sdelay $0x3  }
0x9e: {  	[tilespmem:s14+$0x8600] =	vst v1  }
0x9f: {  	v1 =	vld.idx.msk [tilespmem:v2+s2+$0x0], $0xffff;
	_ =	sdelay $0x1  }
0xa0: {  	v2 =	vor.u32 $0x300, v0;
	_ =	sdelay $0x3  }
0xa1: {  	[tilespmem:s14+$0x8680] =	vst v1  }
0xa2: {  	v1 =	vld.idx.msk [tilespmem:v2+s2+$0x0], $0xffff;
	_ =	sdelay $0x1  }
0xa3: {  	v2 =	vor.u32 $0x380, v0;
	_ =	sdelay $0x3  }
0xa4: {  	[tilespmem:s14+$0x8700] =	vst v1  }
0xa5: {  	v1 =	vld.idx.msk [tilespmem:v2+s2+$0x0], $0xffff;
	_ =	sdelay $0x1  }
0xa6: {  	v2 =	vadd.s32 $0x2000, v0;
	_ =	sdelay $0x1  }
0xa7: {  	s16 =	sor.u32 s13, s16  }
0xa8: {  	s16 =	sor.u32 $0x380, s16  }
0xa9: {  	[tilespmem:s16+$0x8400] =	vst v1  }
0xaa: {  	v1 =	vld.idx.msk [tilespmem:v2+s2+$0x0], $0xffff;
	_ =	sdelay $0x1  }
0xab: {  	v2 =	vadd.s32 $0x2080, v0;
	_ =	sdelay $0x3  }
0xac: {  	[tilespmem:s14+$0xA400] =	vst v1  }
0xad: {  	v1 =	vld.idx.msk [tilespmem:v2+s2+$0x0], $0xffff;
	_ =	sdelay $0x1  }
0xae: {  	v2 =	vadd.s32 $0x2100, v0;
	_ =	sdelay $0x3  }
0xaf: {  	[tilespmem:s14+$0xA480] =	vst v1  }
0xb0: {  	v1 =	vld.idx.msk [tilespmem:v2+s2+$0x0], $0xffff;
	_ =	sdelay $0x1  }
0xb1: {  	v2 =	vadd.s32 $0x2180, v0;
	_ =	sdelay $0x3  }
0xb2: {  	[tilespmem:s14+$0xA500] =	vst v1  }
0xb3: {  	v1 =	vld.idx.msk [tilespmem:v2+s2+$0x0], $0xffff;
	_ =	sdelay $0x1  }
0xb4: {  	v2 =	vadd.s32 $0x2200, v0;
	_ =	sdelay $0x3  }
0xb5: {  	[tilespmem:s14+$0xA580] =	vst v1  }
0xb6: {  	v1 =	vld.idx.msk [tilespmem:v2+s2+$0x0], $0xffff;
	_ =	sdelay $0x1  }
0xb7: {  	v2 =	vadd.s32 $0x2280, v0;
	_ =	sdelay $0x3  }
0xb8: {  	[tilespmem:s14+$0xA600] =	vst v1  }
0xb9: {  	v1 =	vld.idx.msk [tilespmem:v2+s2+$0x0], $0xffff;
	_ =	sdelay $0x1  }
0xba: {  	v2 =	vadd.s32 $0x2300, v0;
	_ =	sdelay $0x3  }
0xbb: {  	[tilespmem:s14+$0xA680] =	vst v1  }
0xbc: {  	v1 =	vld.idx.msk [tilespmem:v2+s2+$0x0], $0xffff;
	_ =	sdelay $0x1  }
0xbd: {  	v2 =	vadd.s32 $0x2380, v0;
	_ =	sdelay $0x3  }
0xbe: {  	[tilespmem:s14+$0xA700] =	vst v1  }
0xbf: {  	v1 =	vld.idx.msk [tilespmem:v2+s2+$0x0], $0xffff;
	_ =	sdelay $0x1  }
0xc0: {  	v2 =	vadd.s32 $0x4000, v0;
	_ =	sdelay $0x3  }
0xc1: {  	[tilespmem:s14+$0xA780] =	vst v1  }
0xc2: {  	v1 =	vld.idx.msk [tilespmem:v2+s2+$0x0], $0xffff;
	_ =	sdelay $0x1  }
0xc3: {  	v2 =	vadd.s32 $0x4080, v0;
	_ =	sdelay $0x3  }
0xc4: {  	[tilespmem:s14+$0xC400] =	vst v1  }
0xc5: {  	v1 =	vld.idx.msk [tilespmem:v2+s2+$0x0], $0xffff;
	_ =	sdelay $0x1  }
0xc6: {  	v2 =	vadd.s32 $0x4100, v0;
	_ =	sdelay $0x3  }
0xc7: {  	[tilespmem:s14+$0xC480] =	vst v1  }
0xc8: {  	v1 =	vld.idx.msk [tilespmem:v2+s2+$0x0], $0xffff;
	_ =	sdelay $0x1  }
0xc9: {  	v2 =	vadd.s32 $0x4180, v0;
	_ =	sdelay $0x3  }
0xca: {  	[tilespmem:s14+$0xC500] =	vst v1  }
0xcb: {  	v1 =	vld.idx.msk [tilespmem:v2+s2+$0x0], $0xffff;
	_ =	sdelay $0x1  }
0xcc: {  	v2 =	vadd.s32 $0x4200, v0;
	_ =	sdelay $0x3  }
0xcd: {  	[tilespmem:s14+$0xC580] =	vst v1  }
0xce: {  	v1 =	vld.idx.msk [tilespmem:v2+s2+$0x0], $0xffff;
	_ =	sdelay $0x1  }
0xcf: {  	v2 =	vadd.s32 $0x4280, v0;
	_ =	sdelay $0x3  }
0xd0: {  	[tilespmem:s14+$0xC600] =	vst v1  }
0xd1: {  	v1 =	vld.idx.msk [tilespmem:v2+s2+$0x0], $0xffff;
	_ =	sdelay $0x1  }
0xd2: {  	v2 =	vadd.s32 $0x4300, v0;
	_ =	sdelay $0x3  }
0xd3: {  	[tilespmem:s14+$0xC680] =	vst v1  }
0xd4: {  	v1 =	vld.idx.msk [tilespmem:v2+s2+$0x0], $0xffff;
	_ =	sdelay $0x1  }
0xd5: {  	v2 =	vadd.s32 $0x4380, v0;
	_ =	sdelay $0x3  }
0xd6: {  	[tilespmem:s14+$0xC700] =	vst v1  }
0xd7: {  	v1 =	vld.idx.msk [tilespmem:v2+s2+$0x0], $0xffff;
	_ =	sdelay $0x1  }
0xd8: {  	v2 =	vadd.s32 $0x6000, v0;
	_ =	sdelay $0x3  }
0xd9: {  	[tilespmem:s14+$0xC780] =	vst v1  }
0xda: {  	v1 =	vld.idx.msk [tilespmem:v2+s2+$0x0], $0xffff;
	_ =	sdelay $0x1  }
0xdb: {  	v2 =	vadd.s32 $0x6080, v0;
	_ =	sdelay $0x3  }
0xdc: {  	[tilespmem:s14+$0xE400] =	vst v1  }
0xdd: {  	v1 =	vld.idx.msk [tilespmem:v2+s2+$0x0], $0xffff;
	_ =	sdelay $0x1  }
0xde: {  	v2 =	vadd.s32 $0x6100, v0;
	_ =	sdelay $0x3  }
0xdf: {  	[tilespmem:s14+$0xE480] =	vst v1  }
0xe0: {  	v1 =	vld.idx.msk [tilespmem:v2+s2+$0x0], $0xffff;
	_ =	sdelay $0x1  }
0xe1: {  	v2 =	vadd.s32 $0x6180, v0;
	_ =	sdelay $0x3  }
0xe2: {  	[tilespmem:s14+$0xE500] =	vst v1  }
0xe3: {  	v1 =	vld.idx.msk [tilespmem:v2+s2+$0x0], $0xffff;
	_ =	sdelay $0x1  }
0xe4: {  	v2 =	vadd.s32 $0x6200, v0;
	_ =	sdelay $0x3  }
0xe5: {  	[tilespmem:s14+$0xE580] =	vst v1  }
0xe6: {  	v1 =	vld.idx.msk [tilespmem:v2+s2+$0x0], $0xffff;
	_ =	sdelay $0x1  }
0xe7: {  	v2 =	vadd.s32 $0x6280, v0;
	_ =	sdelay $0x3  }
0xe8: {  	[tilespmem:s14+$0xE600] =	vst v1  }
0xe9: {  	v1 =	vld.idx.msk [tilespmem:v2+s2+$0x0], $0xffff;
	_ =	sdelay $0x1  }
0xea: {  	v2 =	vadd.s32 $0x6300, v0;
	_ =	sdelay $0x3  }
0xeb: {  	[tilespmem:s14+$0xE680] =	vst v1  }
0xec: {  	v1 =	vld.idx.msk [tilespmem:v2+s2+$0x0], $0xffff;
	_ =	sdelay $0x1  }
0xed: {  	v0 =	vadd.s32 $0x6380, v0  }
.Ltmp3:
0xee: {  	(pc) =	sbr.rel @p1 .LBB2_3-.Ltmp3, $3  }
0xef: {  	_ =	sdelay $0x1  }
0xf0: {  	[tilespmem:s14+$0xE700] =	vst v1  }
0xf1: {  	v0 =	vld.idx.msk [tilespmem:v0+s2+$0x0], $0xffff  }
.Ltmp4:
0xf2: {  	_ = 	snop;
	(pc) =	sbr.rel .LBB2_4-.Ltmp4, $1  }
0xf3: {  	_ =	sdelay $0x3  }
.LBB2_6:
0xf4: {  	_ =	sfence.sel $0x180000  }
0xf5: {  	[bflag:$0x0] =	sbarrier.arrive $0xFFFF  }
0xf6: {  	p0 =	sne.s32 s1, $0x0;
	_ =	strace $0x9000004A  }
0xf7: {  	s0 =	sadd.s32 @!p0 $0x100000, s0;
	[bflag:$0x2] =	sbarrier.arrive $0xFFFF  }
0xf8: {  	[sflag:s0] =	ssyncadd.tile.s32 @!p0 $0x1;
	_ =	shalt  }
.Lfunc_end2:
_tile_overlayer_lowered:
.L_overlay_start_2:
0xf9: {  	(tag) =	ssettag $0x2  }
0xfa: {  	s0 =	rddreg [dreg:$0x0];
	s2 =	stileid.u32  }
0xfb: {  	s1 =	rddreg [dreg:$0x1];
	p0 =	sne.s32 s2, $0x0  }
0xfc: {  	s3 =	rddreg [dreg:$0x2];
	[bflag:$0x3] =	sbarrier.arrive $0xFFFF;
	s2 =	simm.s32 @!p0 $0x1C01  }
0xfd: {  	[timem:s3], [sflag:s2] =	dma.local @!p0 [hbm:s0], s1  }
0xfe: {  	s0 =	simm.s32 @!p0 $0x1  }
0xff: {  	_ =	swait.ge @!p0 [sflag:s0], s1  }
0x100: {  	s1 =	ssub.s32 @!p0 $0x0, s1;
	[sflag:s0] =	ssyncset.done @!p0 $0x0  }
0x101: {  	[sflag:s0] =	ssyncadd.s32 @!p0 s1  }
0x102: {  	[bflag:$0x3] =	sbarrier.arrive $0xFFFF  }
0x103: {  	_ =	shalt  }

</sc_bundles>
